<compile_context>
chip_gen: v7x
topology: tpu7x:2x2x1
jax: 0.10.2.dev20260603
libtpu: 0.0.44.dev20260713+nightly
codegen_flags: <defaults>
</compile_context>

<pallas_src>
import functools

import jax
import jax.numpy as jnp
from jax import lax
from jax.experimental import pallas as pl
from jax.experimental.pallas import tpu as pltpu
from jax.experimental.pallas import tpu_sc as plsc

MAXLEN = 200
VOCAB = 100000
D = 128
BATCH = 1024

NC = 2
NS = 16
NW = NC * NS

N = BATCH * MAXLEN
RW = N // NW
CHUNK = 256
NCHUNK = RW // CHUNK
LANES = 16
SUBV = D // LANES


NBUF = 3


def _body(ids_hbm, tok_hbm, pos_hbm, out_hbm, idx_v, pos_v, *scr):
    wid = lax.axis_index("s") * NC + lax.axis_index("c")
    base = wid * RW
    bufs = scr[:NBUF]
    gsems = scr[NBUF:2 * NBUF]
    ssems = scr[2 * NBUF:3 * NBUF]
    psems = scr[3 * NBUF:4 * NBUF]

    segs = []
    for off in range(0, MAXLEN + CHUNK, MAXLEN):
        segs.append((off, min(MAXLEN, MAXLEN + CHUNK - off)))

    @pl.when(lax.axis_index("s") == 0)
    def _():
        for off, ln in segs:
            pltpu.async_copy(
                pos_hbm.at[pl.ds(0, ln)], pos_v.at[pl.ds(off, ln)], psems[0]
            )

    pltpu.sync_copy(ids_hbm.at[wid], idx_v)

    @pl.when(lax.axis_index("s") == 0)
    def _():
        for off, ln in segs:
            pltpu.make_async_copy(
                pos_hbm.at[pl.ds(0, ln)], pos_v.at[pl.ds(off, ln)], psems[0]
            ).wait()

    plsc.subcore_barrier()

    def prefill_and_gather_add(c, b):
        p0 = lax.rem(c * CHUNK, MAXLEN)
        pltpu.async_copy(pos_v.at[pl.ds(p0, CHUNK)], bufs[b], psems[b])
        pltpu.make_async_copy(
            pos_v.at[pl.ds(0, CHUNK)], bufs[b], psems[b]
        ).wait()
        pltpu.async_copy(
            tok_hbm.at[idx_v.at[0, pl.ds(c * CHUNK, CHUNK)]],
            bufs[b], gsems[b], add=True,
        )

    for b in range(NBUF - 1):
        prefill_and_gather_add(b, b)

    ngroups = -(-NCHUNK // NBUF)

    @pl.loop(0, ngroups * NBUF, step=NBUF)
    def _group(g):
        for b in range(NBUF):
            c = g + b
            nb = (b + NBUF - 1) % NBUF

            @pl.when((c + NBUF - 1 < NCHUNK) & (c >= 1))
            def _():
                pltpu.make_async_copy(
                    bufs[nb], out_hbm.at[pl.ds(0, CHUNK)], ssems[nb]
                ).wait()

            @pl.when(c + NBUF - 1 < NCHUNK)
            def _():
                prefill_and_gather_add(c + NBUF - 1, nb)

            @pl.when(c < NCHUNK)
            def _():
                buf = bufs[b]
                pltpu.make_async_copy(
                    tok_hbm.at[idx_v.at[0, pl.ds(c * CHUNK, CHUNK)]],
                    buf, gsems[b],
                ).wait()
                pltpu.async_copy(
                    buf, out_hbm.at[pl.ds(base + c * CHUNK, CHUNK)], ssems[b]
                )

    for b in range(NBUF):
        pltpu.make_async_copy(
            bufs[b], out_hbm.at[pl.ds(0, CHUNK)], ssems[b]
        ).wait()


def kernel(input_ids, token_table, pos_table):
    ids = input_ids.astype(jnp.int32).reshape(NW, 1, RW)
    mesh = plsc.VectorSubcoreMesh(
        core_axis_name="c", subcore_axis_name="s", num_cores=NC, num_subcores=NS
    )
    run = pl.kernel(
        _body,
        out_type=jax.ShapeDtypeStruct((N, D), jnp.float32),
        mesh=mesh,
        scratch_types=[
            pltpu.VMEM((1, RW), jnp.int32),
            pltpu.VMEM_SHARED((MAXLEN + CHUNK, D), jnp.float32),
        ] + [pltpu.VMEM((CHUNK, D), jnp.float32)] * NBUF
          + [pltpu.SemaphoreType.DMA] * (3 * NBUF),
    )
    out = run(ids, token_table, pos_table)
    return out.reshape(BATCH, MAXLEN, D)

# --- scband reference (transcript-rebuilt; emitter-appended) ---
"""Pipeline reference for scband-token-and-position-embedding-53369263620358 (READ-ONLY COPY).

The authoritative reference and input builder live on the scoring server;
editing this copy changes nothing except your own understanding.
"""

import jax, jax.numpy as jnp
import numpy as np

MAXLEN = 200
VOCAB_SIZE = 100000
EMBEDDING_DIM = 128
BATCH = 1024


def setup_inputs(seed: int = 0) -> dict:
    key = jax.random.key(seed)
    k1, k2, k3 = jax.random.split(key, 3)
    input_ids = jax.random.randint(k1, (BATCH, MAXLEN), 0, VOCAB_SIZE, dtype=jnp.int64 if jax.config.jax_enable_x64 else jnp.int32)
    token_table = jax.random.normal(k2, (VOCAB_SIZE, EMBEDDING_DIM), dtype=jnp.float32) * 0.02
    pos_table = jax.random.normal(k3, (MAXLEN, EMBEDDING_DIM), dtype=jnp.float32) * 0.02
    return {"input_ids": input_ids, "token_table": token_table, "pos_table": pos_table}


def reference(input_ids, token_table, pos_table):
    # positions = range(0, maxlen); positional embedding lookup
    positions = jnp.arange(MAXLEN)
    pos_emb = jnp.take(pos_table, positions, axis=0)  # [maxlen, d]
    # token embedding lookup
    token_emb = jnp.take(token_table, input_ids, axis=0)  # [B, maxlen, d]
    return token_emb + pos_emb[None, :, :]

if __name__ == "__main__":
    import jax
    _d = setup_inputs()
    print(jax.jit(kernel)(*tuple(_d.values())))

</pallas_src>

<mosaic_0001>
#map = affine_map<(d0, d1) -> (0, 0, 0)>
#map1 = affine_map<(d0, d1) -> (0, 0)>
module attributes {stable_mosaic.version = 14 : i64} {
  func.func @_body(%arg0: i32, %arg1: i32, %arg2: memref<32x1x6400xi32, #tpu.memory_space<hbm>>, %arg3: memref<100000x128xf32, #tpu.memory_space<hbm>>, %arg4: memref<200x128xf32, #tpu.memory_space<hbm>>, %arg5: memref<204800x128xf32, #tpu.memory_space<hbm>>, %arg6: memref<1x6400xi32, #tpu.memory_space<vmem>>, %arg7: memref<456x128xf32, #tpu.memory_space<vmem_shared>>, %arg8: memref<256x128xf32, #tpu.memory_space<vmem>>, %arg9: memref<256x128xf32, #tpu.memory_space<vmem>>, %arg10: memref<256x128xf32, #tpu.memory_space<vmem>>, %arg11: memref<!tpu.dma_semaphore, #tpu.memory_space<semaphore_mem>>, %arg12: memref<!tpu.dma_semaphore, #tpu.memory_space<semaphore_mem>>, %arg13: memref<!tpu.dma_semaphore, #tpu.memory_space<semaphore_mem>>, %arg14: memref<!tpu.dma_semaphore, #tpu.memory_space<semaphore_mem>>, %arg15: memref<!tpu.dma_semaphore, #tpu.memory_space<semaphore_mem>>, %arg16: memref<!tpu.dma_semaphore, #tpu.memory_space<semaphore_mem>>, %arg17: memref<!tpu.dma_semaphore, #tpu.memory_space<semaphore_mem>>, %arg18: memref<!tpu.dma_semaphore, #tpu.memory_space<semaphore_mem>>, %arg19: memref<!tpu.dma_semaphore, #tpu.memory_space<semaphore_mem>>) attributes {dimension_semantics = [#tpu.dimension_semantics<core_parallel>, #tpu.dimension_semantics<subcore_parallel>], iteration_bounds = array<i64: 2, 16>, scalar_prefetch = 0 : i64, scratch_operands = 14 : i64, tpu.core_type = #tpu.core_type<sc_vector_subcore>, window_params = [{transform_indices = #map}, {transform_indices = #map1}, {transform_indices = #map1}, {transform_indices = #map1}]} {
    %mul3A = arith.constant 2 : i32
    %mul3A_0 = arith.muli %arg1, %mul3A : i32
    %add3A = arith.addi %mul3A_0, %arg0 : i32
    %mul3A_1 = arith.constant 6400 : i32
    %mul3A_2 = arith.muli %add3A, %mul3A_1 : i32
    %eq3A = arith.constant 0 : i32
    %eq3A_3 = arith.cmpi eq, %arg1, %eq3A : i32
    %convert_element_type3A = arith.extui %eq3A_3 : i1 to i32
    %cond3A = arith.constant 0 : i32
    %cond3A_4 = arith.cmpi ne, %convert_element_type3A, %cond3A : i32
    scf.if %cond3A_4 {
      %dma_start3A_69 = arith.constant 0 : i32
      %dma_start3A_70 = arith.constant 0 : i32
      %dma_start3A_71 = tpu.memref_slice %arg7[%dma_start3A_69, %dma_start3A_70] : memref<456x128xf32, #tpu.memory_space<vmem_shared>> -> memref<200x128xf32, #tpu.memory_space<vmem_shared>>
      %dma_start3A_72 = arith.constant 0 : i32
      %dma_start3A_73 = arith.constant 0 : i32
      %dma_start3A_74 = tpu.memref_slice %arg4[%dma_start3A_72, %dma_start3A_73] : memref<200x128xf32, #tpu.memory_space<hbm>> -> memref<200x128xf32, #tpu.memory_space<hbm>>
      tpu.enqueue_dma source(%dma_start3A_74 : memref<200x128xf32, #tpu.memory_space<hbm>>) target(%dma_start3A_71 : memref<200x128xf32, #tpu.memory_space<vmem_shared>>) target_semaphore(%arg17 : memref<!tpu.dma_semaphore, #tpu.memory_space<semaphore_mem>>)
      %dma_start3A_75 = arith.constant 200 : i32
      %dma_start3A_76 = arith.constant 0 : i32
      %dma_start3A_77 = tpu.memref_slice %arg7[%dma_start3A_75, %dma_start3A_76] : memref<456x128xf32, #tpu.memory_space<vmem_shared>> -> memref<200x128xf32, #tpu.memory_space<vmem_shared>>
      %dma_start3A_78 = arith.constant 0 : i32
      %dma_start3A_79 = arith.constant 0 : i32
      %dma_start3A_80 = tpu.memref_slice %arg4[%dma_start3A_78, %dma_start3A_79] : memref<200x128xf32, #tpu.memory_space<hbm>> -> memref<200x128xf32, #tpu.memory_space<hbm>>
      tpu.enqueue_dma source(%dma_start3A_80 : memref<200x128xf32, #tpu.memory_space<hbm>>) target(%dma_start3A_77 : memref<200x128xf32, #tpu.memory_space<vmem_shared>>) target_semaphore(%arg17 : memref<!tpu.dma_semaphore, #tpu.memory_space<semaphore_mem>>)
      %dma_start3A_81 = arith.constant 400 : i32
      %dma_start3A_82 = arith.constant 0 : i32
      %dma_start3A_83 = tpu.memref_slice %arg7[%dma_start3A_81, %dma_start3A_82] : memref<456x128xf32, #tpu.memory_space<vmem_shared>> -> memref<56x128xf32, #tpu.memory_space<vmem_shared>>
      %dma_start3A_84 = arith.constant 0 : i32
      %dma_start3A_85 = arith.constant 0 : i32
      %dma_start3A_86 = tpu.memref_slice %arg4[%dma_start3A_84, %dma_start3A_85] : memref<200x128xf32, #tpu.memory_space<hbm>> -> memref<56x128xf32, #tpu.memory_space<hbm>>
      tpu.enqueue_dma source(%dma_start3A_86 : memref<56x128xf32, #tpu.memory_space<hbm>>) target(%dma_start3A_83 : memref<56x128xf32, #tpu.memory_space<vmem_shared>>) target_semaphore(%arg17 : memref<!tpu.dma_semaphore, #tpu.memory_space<semaphore_mem>>)
    } else {
    }
    "tpu.region"() ({
      %run_scoped3A = tpu.sem_alloc : memref<!tpu.dma_semaphore, #tpu.memory_space<semaphore_mem>>
      %dma_start3A_69 = arith.constant 0 : i32
      %dma_start3A_70 = arith.constant 0 : i32
      %dma_start3A_71 = tpu.memref_slice %arg2[%add3A, %dma_start3A_69, %dma_start3A_70] : memref<32x1x6400xi32, #tpu.memory_space<hbm>> -> memref<1x1x6400xi32, #tpu.memory_space<hbm>>
      %dma_start3A_72 = tpu.memref_squeeze %dma_start3A_71 : memref<1x1x6400xi32, #tpu.memory_space<hbm>> -> memref<1x6400xi32, #tpu.memory_space<hbm>>
      %dma_start3A_73 = arith.constant 0 : i32
      %dma_start3A_74 = arith.constant 0 : i32
      %dma_start3A_75 = tpu.memref_slice %arg2[%add3A, %dma_start3A_73, %dma_start3A_74] : memref<32x1x6400xi32, #tpu.memory_space<hbm>> -> memref<1x1x6400xi32, #tpu.memory_space<hbm>>
      %dma_start3A_76 = tpu.memref_squeeze %dma_start3A_75 : memref<1x1x6400xi32, #tpu.memory_space<hbm>> -> memref<1x6400xi32, #tpu.memory_space<hbm>>
      tpu.enqueue_dma source(%dma_start3A_76 : memref<1x6400xi32, #tpu.memory_space<hbm>>) target(%arg6 : memref<1x6400xi32, #tpu.memory_space<vmem>>) target_semaphore(%run_scoped3A : memref<!tpu.dma_semaphore, #tpu.memory_space<semaphore_mem>>)
      %dma_wait3A_77 = arith.constant 0 : i32
      %dma_wait3A_78 = arith.constant 0 : i32
      %dma_wait3A_79 = tpu.memref_slice %arg2[%add3A, %dma_wait3A_77, %dma_wait3A_78] : memref<32x1x6400xi32, #tpu.memory_space<hbm>> -> memref<1x1x6400xi32, #tpu.memory_space<hbm>>
      %dma_wait3A_80 = tpu.memref_squeeze %dma_wait3A_79 : memref<1x1x6400xi32, #tpu.memory_space<hbm>> -> memref<1x6400xi32, #tpu.memory_space<hbm>>
      %dma_wait3A_81 = arith.constant 0 : i32
      %dma_wait3A_82 = arith.constant 0 : i32
      %dma_wait3A_83 = tpu.memref_slice %arg2[%add3A, %dma_wait3A_81, %dma_wait3A_82] : memref<32x1x6400xi32, #tpu.memory_space<hbm>> -> memref<1x1x6400xi32, #tpu.memory_space<hbm>>
      %dma_wait3A_84 = tpu.memref_squeeze %dma_wait3A_83 : memref<1x1x6400xi32, #tpu.memory_space<hbm>> -> memref<1x6400xi32, #tpu.memory_space<hbm>>
      tpu.wait_dma2 semaphore(%run_scoped3A : memref<!tpu.dma_semaphore, #tpu.memory_space<semaphore_mem>>) src(%dma_wait3A_84 : memref<1x6400xi32, #tpu.memory_space<hbm>>) dst(%arg6 : memref<1x6400xi32, #tpu.memory_space<vmem>>)
      tpu.yield
    }) : () -> ()
    %eq3A_5 = arith.constant 0 : i32
    %eq3A_6 = arith.cmpi eq, %arg1, %eq3A_5 : i32
    %convert_element_type3A_7 = arith.extui %eq3A_6 : i1 to i32
    %cond3A_8 = arith.constant 0 : i32
    %cond3A_9 = arith.cmpi ne, %convert_element_type3A_7, %cond3A_8 : i32
    scf.if %cond3A_9 {
      %dma_wait3A_69 = arith.constant 0 : i32
      %dma_wait3A_70 = arith.constant 0 : i32
      %dma_wait3A_71 = tpu.memref_slice %arg7[%dma_wait3A_69, %dma_wait3A_70] : memref<456x128xf32, #tpu.memory_space<vmem_shared>> -> memref<200x128xf32, #tpu.memory_space<vmem_shared>>
      %dma_wait3A_72 = arith.constant 0 : i32
      %dma_wait3A_73 = arith.constant 0 : i32
      %dma_wait3A_74 = tpu.memref_slice %arg4[%dma_wait3A_72, %dma_wait3A_73] : memref<200x128xf32, #tpu.memory_space<hbm>> -> memref<200x128xf32, #tpu.memory_space<hbm>>
      tpu.wait_dma2 semaphore(%arg17 : memref<!tpu.dma_semaphore, #tpu.memory_space<semaphore_mem>>) src(%dma_wait3A_74 : memref<200x128xf32, #tpu.memory_space<hbm>>) dst(%dma_wait3A_71 : memref<200x128xf32, #tpu.memory_space<vmem_shared>>)
      %dma_wait3A_75 = arith.constant 200 : i32
      %dma_wait3A_76 = arith.constant 0 : i32
      %dma_wait3A_77 = tpu.memref_slice %arg7[%dma_wait3A_75, %dma_wait3A_76] : memref<456x128xf32, #tpu.memory_space<vmem_shared>> -> memref<200x128xf32, #tpu.memory_space<vmem_shared>>
      %dma_wait3A_78 = arith.constant 0 : i32
      %dma_wait3A_79 = arith.constant 0 : i32
      %dma_wait3A_80 = tpu.memref_slice %arg4[%dma_wait3A_78, %dma_wait3A_79] : memref<200x128xf32, #tpu.memory_space<hbm>> -> memref<200x128xf32, #tpu.memory_space<hbm>>
      tpu.wait_dma2 semaphore(%arg17 : memref<!tpu.dma_semaphore, #tpu.memory_space<semaphore_mem>>) src(%dma_wait3A_80 : memref<200x128xf32, #tpu.memory_space<hbm>>) dst(%dma_wait3A_77 : memref<200x128xf32, #tpu.memory_space<vmem_shared>>)
      %dma_wait3A_81 = arith.constant 400 : i32
      %dma_wait3A_82 = arith.constant 0 : i32
      %dma_wait3A_83 = tpu.memref_slice %arg7[%dma_wait3A_81, %dma_wait3A_82] : memref<456x128xf32, #tpu.memory_space<vmem_shared>> -> memref<56x128xf32, #tpu.memory_space<vmem_shared>>
      %dma_wait3A_84 = arith.constant 0 : i32
      %dma_wait3A_85 = arith.constant 0 : i32
      %dma_wait3A_86 = tpu.memref_slice %arg4[%dma_wait3A_84, %dma_wait3A_85] : memref<200x128xf32, #tpu.memory_space<hbm>> -> memref<56x128xf32, #tpu.memory_space<hbm>>
      tpu.wait_dma2 semaphore(%arg17 : memref<!tpu.dma_semaphore, #tpu.memory_space<semaphore_mem>>) src(%dma_wait3A_86 : memref<56x128xf32, #tpu.memory_space<hbm>>) dst(%dma_wait3A_83 : memref<56x128xf32, #tpu.memory_space<vmem_shared>>)
    } else {
    }
    %barrier3A = arith.constant 0 : index
    tpu.barrier barrier_id(%barrier3A)
    %rem3A = arith.constant 0 : i32
    %rem3A_10 = arith.constant 200 : i32
    %rem3A_11 = arith.remsi %rem3A, %rem3A_10 : i32
    %dma_start3A = arith.constant 0 : i32
    %dma_start3A_12 = tpu.memref_slice %arg7[%rem3A_11, %dma_start3A] : memref<456x128xf32, #tpu.memory_space<vmem_shared>> -> memref<256x128xf32, #tpu.memory_space<vmem_shared>>
    %dma_start3A_13 = arith.constant 0 : i32
    %dma_start3A_14 = tpu.memref_slice %arg7[%rem3A_11, %dma_start3A_13] : memref<456x128xf32, #tpu.memory_space<vmem_shared>> -> memref<256x128xf32, #tpu.memory_space<vmem_shared>>
    tpu.enqueue_dma source(%dma_start3A_14 : memref<256x128xf32, #tpu.memory_space<vmem_shared>>) target(%arg8 : memref<256x128xf32, #tpu.memory_space<vmem>>) target_semaphore(%arg17 : memref<!tpu.dma_semaphore, #tpu.memory_space<semaphore_mem>>)
    %dma_wait3A = arith.constant 0 : i32
    %dma_wait3A_15 = arith.constant 0 : i32
    %dma_wait3A_16 = tpu.memref_slice %arg7[%dma_wait3A, %dma_wait3A_15] : memref<456x128xf32, #tpu.memory_space<vmem_shared>> -> memref<256x128xf32, #tpu.memory_space<vmem_shared>>
    %dma_wait3A_17 = arith.constant 0 : i32
    %dma_wait3A_18 = arith.constant 0 : i32
    %dma_wait3A_19 = tpu.memref_slice %arg7[%dma_wait3A_17, %dma_wait3A_18] : memref<456x128xf32, #tpu.memory_space<vmem_shared>> -> memref<256x128xf32, #tpu.memory_space<vmem_shared>>
    tpu.wait_dma2 semaphore(%arg17 : memref<!tpu.dma_semaphore, #tpu.memory_space<semaphore_mem>>) src(%dma_wait3A_19 : memref<256x128xf32, #tpu.memory_space<vmem_shared>>) dst(%arg8 : memref<256x128xf32, #tpu.memory_space<vmem>>)
    %dma_start3A_20 = arith.constant 0 : i32
    %dma_start3A_21 = arith.constant 0 : i32
    %dma_start3A_22 = tpu.memref_slice %arg6[%dma_start3A_20, %dma_start3A_21] : memref<1x6400xi32, #tpu.memory_space<vmem>> -> memref<1x256xi32, #tpu.memory_space<vmem>>
    %dma_start3A_23 = tpu.memref_squeeze %dma_start3A_22 : memref<1x256xi32, #tpu.memory_space<vmem>> -> memref<256xi32, #tpu.memory_space<vmem>>
    %dma_start3A_24 = arith.constant 0 : i32
    %dma_start3A_25 = arith.constant 0 : i32
    %dma_start3A_26 = tpu.memref_slice %arg3[%dma_start3A_24, %dma_start3A_25] : memref<100000x128xf32, #tpu.memory_space<hbm>> -> memref<100000x128xf32, #tpu.memory_space<hbm>>
    tpu.enqueue_indirect_dma source(%dma_start3A_26 : memref<100000x128xf32, #tpu.memory_space<hbm>>) target(%arg8 : memref<256x128xf32, #tpu.memory_space<vmem>>) offsets(%dma_start3A_23 : memref<256xi32, #tpu.memory_space<vmem>>) semaphore(%arg11 : memref<!tpu.dma_semaphore, #tpu.memory_space<semaphore_mem>>) {add = true}
    %rem3A_27 = arith.constant 256 : i32
    %rem3A_28 = arith.constant 200 : i32
    %rem3A_29 = arith.remsi %rem3A_27, %rem3A_28 : i32
    %dma_start3A_30 = arith.constant 0 : i32
    %dma_start3A_31 = tpu.memref_slice %arg7[%rem3A_29, %dma_start3A_30] : memref<456x128xf32, #tpu.memory_space<vmem_shared>> -> memref<256x128xf32, #tpu.memory_space<vmem_shared>>
    %dma_start3A_32 = arith.constant 0 : i32
    %dma_start3A_33 = tpu.memref_slice %arg7[%rem3A_29, %dma_start3A_32] : memref<456x128xf32, #tpu.memory_space<vmem_shared>> -> memref<256x128xf32, #tpu.memory_space<vmem_shared>>
    tpu.enqueue_dma source(%dma_start3A_33 : memref<256x128xf32, #tpu.memory_space<vmem_shared>>) target(%arg9 : memref<256x128xf32, #tpu.memory_space<vmem>>) target_semaphore(%arg18 : memref<!tpu.dma_semaphore, #tpu.memory_space<semaphore_mem>>)
    %dma_wait3A_34 = arith.constant 0 : i32
    %dma_wait3A_35 = arith.constant 0 : i32
    %dma_wait3A_36 = tpu.memref_slice %arg7[%dma_wait3A_34, %dma_wait3A_35] : memref<456x128xf32, #tpu.memory_space<vmem_shared>> -> memref<256x128xf32, #tpu.memory_space<vmem_shared>>
    %dma_wait3A_37 = arith.constant 0 : i32
    %dma_wait3A_38 = arith.constant 0 : i32
    %dma_wait3A_39 = tpu.memref_slice %arg7[%dma_wait3A_37, %dma_wait3A_38] : memref<456x128xf32, #tpu.memory_space<vmem_shared>> -> memref<256x128xf32, #tpu.memory_space<vmem_shared>>
    tpu.wait_dma2 semaphore(%arg18 : memref<!tpu.dma_semaphore, #tpu.memory_space<semaphore_mem>>) src(%dma_wait3A_39 : memref<256x128xf32, #tpu.memory_space<vmem_shared>>) dst(%arg9 : memref<256x128xf32, #tpu.memory_space<vmem>>)
    %dma_start3A_40 = arith.constant 0 : i32
    %dma_start3A_41 = arith.constant 256 : i32
    %dma_start3A_42 = tpu.memref_slice %arg6[%dma_start3A_40, %dma_start3A_41] : memref<1x6400xi32, #tpu.memory_space<vmem>> -> memref<1x256xi32, #tpu.memory_space<vmem>>
    %dma_start3A_43 = tpu.memref_squeeze %dma_start3A_42 : memref<1x256xi32, #tpu.memory_space<vmem>> -> memref<256xi32, #tpu.memory_space<vmem>>
    %dma_start3A_44 = arith.constant 0 : i32
    %dma_start3A_45 = arith.constant 0 : i32
    %dma_start3A_46 = tpu.memref_slice %arg3[%dma_start3A_44, %dma_start3A_45] : memref<100000x128xf32, #tpu.memory_space<hbm>> -> memref<100000x128xf32, #tpu.memory_space<hbm>>
    tpu.enqueue_indirect_dma source(%dma_start3A_46 : memref<100000x128xf32, #tpu.memory_space<hbm>>) target(%arg9 : memref<256x128xf32, #tpu.memory_space<vmem>>) offsets(%dma_start3A_43 : memref<256xi32, #tpu.memory_space<vmem>>) semaphore(%arg12 : memref<!tpu.dma_semaphore, #tpu.memory_space<semaphore_mem>>) {add = true}
    %scan3A = arith.constant 0 : i32
    %scan3A_47 = arith.constant 9 : i32
    %scan3A_48 = arith.addi %scan3A, %scan3A_47 : i32
    %scan3A_49 = arith.constant 1 : i32
    scf.for %scan3A_69 = %scan3A to %scan3A_48 step %scan3A_49  : i32 {
      %mul3A_70 = arith.constant 3 : i32
      %mul3A_71 = arith.muli %scan3A_69, %mul3A_70 : i32
      %add3A_72 = arith.constant 0 : i32
      %add3A_73 = arith.addi %add3A_72, %mul3A_71 : i32
      %add3A_74 = arith.constant 0 : i32
      %add3A_75 = arith.addi %add3A_73, %add3A_74 : i32
      %add3A_76 = arith.constant 3 : i32
      %add3A_77 = arith.addi %add3A_75, %add3A_76 : i32
      %sub3A = arith.constant 1 : i32
      %sub3A_78 = arith.subi %add3A_77, %sub3A : i32
      %lt3A = arith.constant 25 : i32
      %lt3A_79 = arith.cmpi slt, %sub3A_78, %lt3A : i32
      %ge3A = arith.constant 1 : i32
      %ge3A_80 = arith.cmpi sge, %add3A_75, %ge3A : i32
      %and3A = arith.andi %lt3A_79, %ge3A_80 : i1
      %convert_element_type3A_81 = arith.extui %and3A : i1 to i32
      %cond3A_82 = arith.constant 0 : i32
      %cond3A_83 = arith.cmpi ne, %convert_element_type3A_81, %cond3A_82 : i32
      scf.if %cond3A_83 {
        %dma_wait3A_154 = arith.constant 0 : i32
        %dma_wait3A_155 = arith.constant 0 : i32
        %dma_wait3A_156 = tpu.memref_slice %arg5[%dma_wait3A_154, %dma_wait3A_155] : memref<204800x128xf32, #tpu.memory_space<hbm>> -> memref<256x128xf32, #tpu.memory_space<hbm>>
        %dma_wait3A_157 = arith.constant 0 : i32
        %dma_wait3A_158 = arith.constant 0 : i32
        %dma_wait3A_159 = tpu.memref_slice %arg5[%dma_wait3A_157, %dma_wait3A_158] : memref<204800x128xf32, #tpu.memory_space<hbm>> -> memref<256x128xf32, #tpu.memory_space<hbm>>
        tpu.wait_dma2 semaphore(%arg16 : memref<!tpu.dma_semaphore, #tpu.memory_space<semaphore_mem>>) src(%arg10 : memref<256x128xf32, #tpu.memory_space<vmem>>) dst(%dma_wait3A_159 : memref<256x128xf32, #tpu.memory_space<hbm>>)
      } else {
      }
      %add3A_84 = arith.constant 3 : i32
      %add3A_85 = arith.addi %add3A_75, %add3A_84 : i32
      %sub3A_86 = arith.constant 1 : i32
      %sub3A_87 = arith.subi %add3A_85, %sub3A_86 : i32
      %lt3A_88 = arith.constant 25 : i32
      %lt3A_89 = arith.cmpi slt, %sub3A_87, %lt3A_88 : i32
      %convert_element_type3A_90 = arith.extui %lt3A_89 : i1 to i32
      %cond3A_91 = arith.constant 0 : i32
      %cond3A_92 = arith.cmpi ne, %convert_element_type3A_90, %cond3A_91 : i32
      scf.if %cond3A_92 {
        %add3A_154 = arith.constant 3 : i32
        %add3A_155 = arith.addi %add3A_75, %add3A_154 : i32
        %sub3A_156 = arith.constant 1 : i32
        %sub3A_157 = arith.subi %add3A_155, %sub3A_156 : i32
        %mul3A_158 = arith.constant 256 : i32
        %mul3A_159 = arith.muli %sub3A_157, %mul3A_158 : i32
        %rem3A_160 = arith.constant 200 : i32
        %rem3A_161 = arith.remsi %mul3A_159, %rem3A_160 : i32
        %dma_start3A_162 = arith.constant 0 : i32
        %dma_start3A_163 = tpu.memref_slice %arg7[%rem3A_161, %dma_start3A_162] : memref<456x128xf32, #tpu.memory_space<vmem_shared>> -> memref<256x128xf32, #tpu.memory_space<vmem_shared>>
        %dma_start3A_164 = arith.constant 0 : i32
        %dma_start3A_165 = tpu.memref_slice %arg7[%rem3A_161, %dma_start3A_164] : memref<456x128xf32, #tpu.memory_space<vmem_shared>> -> memref<256x128xf32, #tpu.memory_space<vmem_shared>>
        tpu.enqueue_dma source(%dma_start3A_165 : memref<256x128xf32, #tpu.memory_space<vmem_shared>>) target(%arg10 : memref<256x128xf32, #tpu.memory_space<vmem>>) target_semaphore(%arg19 : memref<!tpu.dma_semaphore, #tpu.memory_space<semaphore_mem>>)
        %dma_wait3A_166 = arith.constant 0 : i32
        %dma_wait3A_167 = arith.constant 0 : i32
        %dma_wait3A_168 = tpu.memref_slice %arg7[%dma_wait3A_166, %dma_wait3A_167] : memref<456x128xf32, #tpu.memory_space<vmem_shared>> -> memref<256x128xf32, #tpu.memory_space<vmem_shared>>
        %dma_wait3A_169 = arith.constant 0 : i32
        %dma_wait3A_170 = arith.constant 0 : i32
        %dma_wait3A_171 = tpu.memref_slice %arg7[%dma_wait3A_169, %dma_wait3A_170] : memref<456x128xf32, #tpu.memory_space<vmem_shared>> -> memref<256x128xf32, #tpu.memory_space<vmem_shared>>
        tpu.wait_dma2 semaphore(%arg19 : memref<!tpu.dma_semaphore, #tpu.memory_space<semaphore_mem>>) src(%dma_wait3A_171 : memref<256x128xf32, #tpu.memory_space<vmem_shared>>) dst(%arg10 : memref<256x128xf32, #tpu.memory_space<vmem>>)
        %mul3A_172 = arith.constant 256 : i32
        %mul3A_173 = arith.muli %sub3A_157, %mul3A_172 : i32
        %dma_start3A_174 = arith.constant 0 : i32
        %dma_start3A_175 = tpu.memref_slice %arg6[%dma_start3A_174, %mul3A_173] : memref<1x6400xi32, #tpu.memory_space<vmem>> -> memref<1x256xi32, #tpu.memory_space<vmem>>
        %dma_start3A_176 = tpu.memref_squeeze %dma_start3A_175 : memref<1x256xi32, #tpu.memory_space<vmem>> -> memref<256xi32, #tpu.memory_space<vmem>>
        %dma_start3A_177 = arith.constant 0 : i32
        %dma_start3A_178 = arith.constant 0 : i32
        %dma_start3A_179 = tpu.memref_slice %arg3[%dma_start3A_177, %dma_start3A_178] : memref<100000x128xf32, #tpu.memory_space<hbm>> -> memref<100000x128xf32, #tpu.memory_space<hbm>>
        tpu.enqueue_indirect_dma source(%dma_start3A_179 : memref<100000x128xf32, #tpu.memory_space<hbm>>) target(%arg10 : memref<256x128xf32, #tpu.memory_space<vmem>>) offsets(%dma_start3A_176 : memref<256xi32, #tpu.memory_space<vmem>>) semaphore(%arg13 : memref<!tpu.dma_semaphore, #tpu.memory_space<semaphore_mem>>) {add = true}
      } else {
      }
      %lt3A_93 = arith.constant 25 : i32
      %lt3A_94 = arith.cmpi slt, %add3A_75, %lt3A_93 : i32
      %convert_element_type3A_95 = arith.extui %lt3A_94 : i1 to i32
      %cond3A_96 = arith.constant 0 : i32
      %cond3A_97 = arith.cmpi ne, %convert_element_type3A_95, %cond3A_96 : i32
      scf.if %cond3A_97 {
        %mul3A_154 = arith.constant 256 : i32
        %mul3A_155 = arith.muli %add3A_75, %mul3A_154 : i32
        %dma_wait3A_156 = arith.constant 0 : i32
        %dma_wait3A_157 = tpu.memref_slice %arg6[%dma_wait3A_156, %mul3A_155] : memref<1x6400xi32, #tpu.memory_space<vmem>> -> memref<1x256xi32, #tpu.memory_space<vmem>>
        %dma_wait3A_158 = tpu.memref_squeeze %dma_wait3A_157 : memref<1x256xi32, #tpu.memory_space<vmem>> -> memref<256xi32, #tpu.memory_space<vmem>>
        %dma_wait3A_159 = arith.constant 0 : i32
        %dma_wait3A_160 = arith.constant 0 : i32
        %dma_wait3A_161 = tpu.memref_slice %arg3[%dma_wait3A_159, %dma_wait3A_160] : memref<100000x128xf32, #tpu.memory_space<hbm>> -> memref<100000x128xf32, #tpu.memory_space<hbm>>
        tpu.wait_indirect_dma semaphore(%arg11 : memref<!tpu.dma_semaphore, #tpu.memory_space<semaphore_mem>>) src(%dma_wait3A_161 : memref<100000x128xf32, #tpu.memory_space<hbm>>) dst(%arg8 : memref<256x128xf32, #tpu.memory_space<vmem>>)
        %mul3A_162 = arith.constant 256 : i32
        %mul3A_163 = arith.muli %add3A_75, %mul3A_162 : i32
        %add3A_164 = arith.addi %mul3A_2, %mul3A_163 : i32
        %dma_start3A_165 = arith.constant 0 : i32
        %dma_start3A_166 = tpu.memref_slice %arg5[%add3A_164, %dma_start3A_165] : memref<204800x128xf32, #tpu.memory_space<hbm>> -> memref<256x128xf32, #tpu.memory_space<hbm>>
        %dma_start3A_167 = arith.constant 0 : i32
        %dma_start3A_168 = tpu.memref_slice %arg5[%add3A_164, %dma_start3A_167] : memref<204800x128xf32, #tpu.memory_space<hbm>> -> memref<256x128xf32, #tpu.memory_space<hbm>>
        tpu.enqueue_dma source(%arg8 : memref<256x128xf32, #tpu.memory_space<vmem>>) target(%dma_start3A_168 : memref<256x128xf32, #tpu.memory_space<hbm>>) target_semaphore(%arg14 : memref<!tpu.dma_semaphore, #tpu.memory_space<semaphore_mem>>)
      } else {
      }
      %add3A_98 = arith.constant 1 : i32
      %add3A_99 = arith.addi %add3A_73, %add3A_98 : i32
      %add3A_100 = arith.constant 3 : i32
      %add3A_101 = arith.addi %add3A_99, %add3A_100 : i32
      %sub3A_102 = arith.constant 1 : i32
      %sub3A_103 = arith.subi %add3A_101, %sub3A_102 : i32
      %lt3A_104 = arith.constant 25 : i32
      %lt3A_105 = arith.cmpi slt, %sub3A_103, %lt3A_104 : i32
      %ge3A_106 = arith.constant 1 : i32
      %ge3A_107 = arith.cmpi sge, %add3A_99, %ge3A_106 : i32
      %and3A_108 = arith.andi %lt3A_105, %ge3A_107 : i1
      %convert_element_type3A_109 = arith.extui %and3A_108 : i1 to i32
      %cond3A_110 = arith.constant 0 : i32
      %cond3A_111 = arith.cmpi ne, %convert_element_type3A_109, %cond3A_110 : i32
      scf.if %cond3A_111 {
        %dma_wait3A_154 = arith.constant 0 : i32
        %dma_wait3A_155 = arith.constant 0 : i32
        %dma_wait3A_156 = tpu.memref_slice %arg5[%dma_wait3A_154, %dma_wait3A_155] : memref<204800x128xf32, #tpu.memory_space<hbm>> -> memref<256x128xf32, #tpu.memory_space<hbm>>
        %dma_wait3A_157 = arith.constant 0 : i32
        %dma_wait3A_158 = arith.constant 0 : i32
        %dma_wait3A_159 = tpu.memref_slice %arg5[%dma_wait3A_157, %dma_wait3A_158] : memref<204800x128xf32, #tpu.memory_space<hbm>> -> memref<256x128xf32, #tpu.memory_space<hbm>>
        tpu.wait_dma2 semaphore(%arg14 : memref<!tpu.dma_semaphore, #tpu.memory_space<semaphore_mem>>) src(%arg8 : memref<256x128xf32, #tpu.memory_space<vmem>>) dst(%dma_wait3A_159 : memref<256x128xf32, #tpu.memory_space<hbm>>)
      } else {
      }
      %add3A_112 = arith.constant 3 : i32
      %add3A_113 = arith.addi %add3A_99, %add3A_112 : i32
      %sub3A_114 = arith.constant 1 : i32
      %sub3A_115 = arith.subi %add3A_113, %sub3A_114 : i32
      %lt3A_116 = arith.constant 25 : i32
      %lt3A_117 = arith.cmpi slt, %sub3A_115, %lt3A_116 : i32
      %convert_element_type3A_118 = arith.extui %lt3A_117 : i1 to i32
      %cond3A_119 = arith.constant 0 : i32
      %cond3A_120 = arith.cmpi ne, %convert_element_type3A_118, %cond3A_119 : i32
      scf.if %cond3A_120 {
        %add3A_154 = arith.constant 3 : i32
        %add3A_155 = arith.addi %add3A_99, %add3A_154 : i32
        %sub3A_156 = arith.constant 1 : i32
        %sub3A_157 = arith.subi %add3A_155, %sub3A_156 : i32
        %mul3A_158 = arith.constant 256 : i32
        %mul3A_159 = arith.muli %sub3A_157, %mul3A_158 : i32
        %rem3A_160 = arith.constant 200 : i32
        %rem3A_161 = arith.remsi %mul3A_159, %rem3A_160 : i32
        %dma_start3A_162 = arith.constant 0 : i32
        %dma_start3A_163 = tpu.memref_slice %arg7[%rem3A_161, %dma_start3A_162] : memref<456x128xf32, #tpu.memory_space<vmem_shared>> -> memref<256x128xf32, #tpu.memory_space<vmem_shared>>
        %dma_start3A_164 = arith.constant 0 : i32
        %dma_start3A_165 = tpu.memref_slice %arg7[%rem3A_161, %dma_start3A_164] : memref<456x128xf32, #tpu.memory_space<vmem_shared>> -> memref<256x128xf32, #tpu.memory_space<vmem_shared>>
        tpu.enqueue_dma source(%dma_start3A_165 : memref<256x128xf32, #tpu.memory_space<vmem_shared>>) target(%arg8 : memref<256x128xf32, #tpu.memory_space<vmem>>) target_semaphore(%arg17 : memref<!tpu.dma_semaphore, #tpu.memory_space<semaphore_mem>>)
        %dma_wait3A_166 = arith.constant 0 : i32
        %dma_wait3A_167 = arith.constant 0 : i32
        %dma_wait3A_168 = tpu.memref_slice %arg7[%dma_wait3A_166, %dma_wait3A_167] : memref<456x128xf32, #tpu.memory_space<vmem_shared>> -> memref<256x128xf32, #tpu.memory_space<vmem_shared>>
        %dma_wait3A_169 = arith.constant 0 : i32
        %dma_wait3A_170 = arith.constant 0 : i32
        %dma_wait3A_171 = tpu.memref_slice %arg7[%dma_wait3A_169, %dma_wait3A_170] : memref<456x128xf32, #tpu.memory_space<vmem_shared>> -> memref<256x128xf32, #tpu.memory_space<vmem_shared>>
        tpu.wait_dma2 semaphore(%arg17 : memref<!tpu.dma_semaphore, #tpu.memory_space<semaphore_mem>>) src(%dma_wait3A_171 : memref<256x128xf32, #tpu.memory_space<vmem_shared>>) dst(%arg8 : memref<256x128xf32, #tpu.memory_space<vmem>>)
        %mul3A_172 = arith.constant 256 : i32
        %mul3A_173 = arith.muli %sub3A_157, %mul3A_172 : i32
        %dma_start3A_174 = arith.constant 0 : i32
        %dma_start3A_175 = tpu.memref_slice %arg6[%dma_start3A_174, %mul3A_173] : memref<1x6400xi32, #tpu.memory_space<vmem>> -> memref<1x256xi32, #tpu.memory_space<vmem>>
        %dma_start3A_176 = tpu.memref_squeeze %dma_start3A_175 : memref<1x256xi32, #tpu.memory_space<vmem>> -> memref<256xi32, #tpu.memory_space<vmem>>
        %dma_start3A_177 = arith.constant 0 : i32
        %dma_start3A_178 = arith.constant 0 : i32
        %dma_start3A_179 = tpu.memref_slice %arg3[%dma_start3A_177, %dma_start3A_178] : memref<100000x128xf32, #tpu.memory_space<hbm>> -> memref<100000x128xf32, #tpu.memory_space<hbm>>
        tpu.enqueue_indirect_dma source(%dma_start3A_179 : memref<100000x128xf32, #tpu.memory_space<hbm>>) target(%arg8 : memref<256x128xf32, #tpu.memory_space<vmem>>) offsets(%dma_start3A_176 : memref<256xi32, #tpu.memory_space<vmem>>) semaphore(%arg11 : memref<!tpu.dma_semaphore, #tpu.memory_space<semaphore_mem>>) {add = true}
      } else {
      }
      %lt3A_121 = arith.constant 25 : i32
      %lt3A_122 = arith.cmpi slt, %add3A_99, %lt3A_121 : i32
      %convert_element_type3A_123 = arith.extui %lt3A_122 : i1 to i32
      %cond3A_124 = arith.constant 0 : i32
      %cond3A_125 = arith.cmpi ne, %convert_element_type3A_123, %cond3A_124 : i32
      scf.if %cond3A_125 {
        %mul3A_154 = arith.constant 256 : i32
        %mul3A_155 = arith.muli %add3A_99, %mul3A_154 : i32
        %dma_wait3A_156 = arith.constant 0 : i32
        %dma_wait3A_157 = tpu.memref_slice %arg6[%dma_wait3A_156, %mul3A_155] : memref<1x6400xi32, #tpu.memory_space<vmem>> -> memref<1x256xi32, #tpu.memory_space<vmem>>
        %dma_wait3A_158 = tpu.memref_squeeze %dma_wait3A_157 : memref<1x256xi32, #tpu.memory_space<vmem>> -> memref<256xi32, #tpu.memory_space<vmem>>
        %dma_wait3A_159 = arith.constant 0 : i32
        %dma_wait3A_160 = arith.constant 0 : i32
        %dma_wait3A_161 = tpu.memref_slice %arg3[%dma_wait3A_159, %dma_wait3A_160] : memref<100000x128xf32, #tpu.memory_space<hbm>> -> memref<100000x128xf32, #tpu.memory_space<hbm>>
        tpu.wait_indirect_dma semaphore(%arg12 : memref<!tpu.dma_semaphore, #tpu.memory_space<semaphore_mem>>) src(%dma_wait3A_161 : memref<100000x128xf32, #tpu.memory_space<hbm>>) dst(%arg9 : memref<256x128xf32, #tpu.memory_space<vmem>>)
        %mul3A_162 = arith.constant 256 : i32
        %mul3A_163 = arith.muli %add3A_99, %mul3A_162 : i32
        %add3A_164 = arith.addi %mul3A_2, %mul3A_163 : i32
        %dma_start3A_165 = arith.constant 0 : i32
        %dma_start3A_166 = tpu.memref_slice %arg5[%add3A_164, %dma_start3A_165] : memref<204800x128xf32, #tpu.memory_space<hbm>> -> memref<256x128xf32, #tpu.memory_space<hbm>>
        %dma_start3A_167 = arith.constant 0 : i32
        %dma_start3A_168 = tpu.memref_slice %arg5[%add3A_164, %dma_start3A_167] : memref<204800x128xf32, #tpu.memory_space<hbm>> -> memref<256x128xf32, #tpu.memory_space<hbm>>
        tpu.enqueue_dma source(%arg9 : memref<256x128xf32, #tpu.memory_space<vmem>>) target(%dma_start3A_168 : memref<256x128xf32, #tpu.memory_space<hbm>>) target_semaphore(%arg15 : memref<!tpu.dma_semaphore, #tpu.memory_space<semaphore_mem>>)
      } else {
      }
      %add3A_126 = arith.constant 2 : i32
      %add3A_127 = arith.addi %add3A_73, %add3A_126 : i32
      %add3A_128 = arith.constant 3 : i32
      %add3A_129 = arith.addi %add3A_127, %add3A_128 : i32
      %sub3A_130 = arith.constant 1 : i32
      %sub3A_131 = arith.subi %add3A_129, %sub3A_130 : i32
      %lt3A_132 = arith.constant 25 : i32
      %lt3A_133 = arith.cmpi slt, %sub3A_131, %lt3A_132 : i32
      %ge3A_134 = arith.constant 1 : i32
      %ge3A_135 = arith.cmpi sge, %add3A_127, %ge3A_134 : i32
      %and3A_136 = arith.andi %lt3A_133, %ge3A_135 : i1
      %convert_element_type3A_137 = arith.extui %and3A_136 : i1 to i32
      %cond3A_138 = arith.constant 0 : i32
      %cond3A_139 = arith.cmpi ne, %convert_element_type3A_137, %cond3A_138 : i32
      scf.if %cond3A_139 {
        %dma_wait3A_154 = arith.constant 0 : i32
        %dma_wait3A_155 = arith.constant 0 : i32
        %dma_wait3A_156 = tpu.memref_slice %arg5[%dma_wait3A_154, %dma_wait3A_155] : memref<204800x128xf32, #tpu.memory_space<hbm>> -> memref<256x128xf32, #tpu.memory_space<hbm>>
        %dma_wait3A_157 = arith.constant 0 : i32
        %dma_wait3A_158 = arith.constant 0 : i32
        %dma_wait3A_159 = tpu.memref_slice %arg5[%dma_wait3A_157, %dma_wait3A_158] : memref<204800x128xf32, #tpu.memory_space<hbm>> -> memref<256x128xf32, #tpu.memory_space<hbm>>
        tpu.wait_dma2 semaphore(%arg15 : memref<!tpu.dma_semaphore, #tpu.memory_space<semaphore_mem>>) src(%arg9 : memref<256x128xf32, #tpu.memory_space<vmem>>) dst(%dma_wait3A_159 : memref<256x128xf32, #tpu.memory_space<hbm>>)
      } else {
      }
      %add3A_140 = arith.constant 3 : i32
      %add3A_141 = arith.addi %add3A_127, %add3A_140 : i32
      %sub3A_142 = arith.constant 1 : i32
      %sub3A_143 = arith.subi %add3A_141, %sub3A_142 : i32
      %lt3A_144 = arith.constant 25 : i32
      %lt3A_145 = arith.cmpi slt, %sub3A_143, %lt3A_144 : i32
      %convert_element_type3A_146 = arith.extui %lt3A_145 : i1 to i32
      %cond3A_147 = arith.constant 0 : i32
      %cond3A_148 = arith.cmpi ne, %convert_element_type3A_146, %cond3A_147 : i32
      scf.if %cond3A_148 {
        %add3A_154 = arith.constant 3 : i32
        %add3A_155 = arith.addi %add3A_127, %add3A_154 : i32
        %sub3A_156 = arith.constant 1 : i32
        %sub3A_157 = arith.subi %add3A_155, %sub3A_156 : i32
        %mul3A_158 = arith.constant 256 : i32
        %mul3A_159 = arith.muli %sub3A_157, %mul3A_158 : i32
        %rem3A_160 = arith.constant 200 : i32
        %rem3A_161 = arith.remsi %mul3A_159, %rem3A_160 : i32
        %dma_start3A_162 = arith.constant 0 : i32
        %dma_start3A_163 = tpu.memref_slice %arg7[%rem3A_161, %dma_start3A_162] : memref<456x128xf32, #tpu.memory_space<vmem_shared>> -> memref<256x128xf32, #tpu.memory_space<vmem_shared>>
        %dma_start3A_164 = arith.constant 0 : i32
        %dma_start3A_165 = tpu.memref_slice %arg7[%rem3A_161, %dma_start3A_164] : memref<456x128xf32, #tpu.memory_space<vmem_shared>> -> memref<256x128xf32, #tpu.memory_space<vmem_shared>>
        tpu.enqueue_dma source(%dma_start3A_165 : memref<256x128xf32, #tpu.memory_space<vmem_shared>>) target(%arg9 : memref<256x128xf32, #tpu.memory_space<vmem>>) target_semaphore(%arg18 : memref<!tpu.dma_semaphore, #tpu.memory_space<semaphore_mem>>)
        %dma_wait3A_166 = arith.constant 0 : i32
        %dma_wait3A_167 = arith.constant 0 : i32
        %dma_wait3A_168 = tpu.memref_slice %arg7[%dma_wait3A_166, %dma_wait3A_167] : memref<456x128xf32, #tpu.memory_space<vmem_shared>> -> memref<256x128xf32, #tpu.memory_space<vmem_shared>>
        %dma_wait3A_169 = arith.constant 0 : i32
        %dma_wait3A_170 = arith.constant 0 : i32
        %dma_wait3A_171 = tpu.memref_slice %arg7[%dma_wait3A_169, %dma_wait3A_170] : memref<456x128xf32, #tpu.memory_space<vmem_shared>> -> memref<256x128xf32, #tpu.memory_space<vmem_shared>>
        tpu.wait_dma2 semaphore(%arg18 : memref<!tpu.dma_semaphore, #tpu.memory_space<semaphore_mem>>) src(%dma_wait3A_171 : memref<256x128xf32, #tpu.memory_space<vmem_shared>>) dst(%arg9 : memref<256x128xf32, #tpu.memory_space<vmem>>)
        %mul3A_172 = arith.constant 256 : i32
        %mul3A_173 = arith.muli %sub3A_157, %mul3A_172 : i32
        %dma_start3A_174 = arith.constant 0 : i32
        %dma_start3A_175 = tpu.memref_slice %arg6[%dma_start3A_174, %mul3A_173] : memref<1x6400xi32, #tpu.memory_space<vmem>> -> memref<1x256xi32, #tpu.memory_space<vmem>>
        %dma_start3A_176 = tpu.memref_squeeze %dma_start3A_175 : memref<1x256xi32, #tpu.memory_space<vmem>> -> memref<256xi32, #tpu.memory_space<vmem>>
        %dma_start3A_177 = arith.constant 0 : i32
        %dma_start3A_178 = arith.constant 0 : i32
        %dma_start3A_179 = tpu.memref_slice %arg3[%dma_start3A_177, %dma_start3A_178] : memref<100000x128xf32, #tpu.memory_space<hbm>> -> memref<100000x128xf32, #tpu.memory_space<hbm>>
        tpu.enqueue_indirect_dma source(%dma_start3A_179 : memref<100000x128xf32, #tpu.memory_space<hbm>>) target(%arg9 : memref<256x128xf32, #tpu.memory_space<vmem>>) offsets(%dma_start3A_176 : memref<256xi32, #tpu.memory_space<vmem>>) semaphore(%arg12 : memref<!tpu.dma_semaphore, #tpu.memory_space<semaphore_mem>>) {add = true}
      } else {
      }
      %lt3A_149 = arith.constant 25 : i32
      %lt3A_150 = arith.cmpi slt, %add3A_127, %lt3A_149 : i32
      %convert_element_type3A_151 = arith.extui %lt3A_150 : i1 to i32
      %cond3A_152 = arith.constant 0 : i32
      %cond3A_153 = arith.cmpi ne, %convert_element_type3A_151, %cond3A_152 : i32
      scf.if %cond3A_153 {
        %mul3A_154 = arith.constant 256 : i32
        %mul3A_155 = arith.muli %add3A_127, %mul3A_154 : i32
        %dma_wait3A_156 = arith.constant 0 : i32
        %dma_wait3A_157 = tpu.memref_slice %arg6[%dma_wait3A_156, %mul3A_155] : memref<1x6400xi32, #tpu.memory_space<vmem>> -> memref<1x256xi32, #tpu.memory_space<vmem>>
        %dma_wait3A_158 = tpu.memref_squeeze %dma_wait3A_157 : memref<1x256xi32, #tpu.memory_space<vmem>> -> memref<256xi32, #tpu.memory_space<vmem>>
        %dma_wait3A_159 = arith.constant 0 : i32
        %dma_wait3A_160 = arith.constant 0 : i32
        %dma_wait3A_161 = tpu.memref_slice %arg3[%dma_wait3A_159, %dma_wait3A_160] : memref<100000x128xf32, #tpu.memory_space<hbm>> -> memref<100000x128xf32, #tpu.memory_space<hbm>>
        tpu.wait_indirect_dma semaphore(%arg13 : memref<!tpu.dma_semaphore, #tpu.memory_space<semaphore_mem>>) src(%dma_wait3A_161 : memref<100000x128xf32, #tpu.memory_space<hbm>>) dst(%arg10 : memref<256x128xf32, #tpu.memory_space<vmem>>)
        %mul3A_162 = arith.constant 256 : i32
        %mul3A_163 = arith.muli %add3A_127, %mul3A_162 : i32
        %add3A_164 = arith.addi %mul3A_2, %mul3A_163 : i32
        %dma_start3A_165 = arith.constant 0 : i32
        %dma_start3A_166 = tpu.memref_slice %arg5[%add3A_164, %dma_start3A_165] : memref<204800x128xf32, #tpu.memory_space<hbm>> -> memref<256x128xf32, #tpu.memory_space<hbm>>
        %dma_start3A_167 = arith.constant 0 : i32
        %dma_start3A_168 = tpu.memref_slice %arg5[%add3A_164, %dma_start3A_167] : memref<204800x128xf32, #tpu.memory_space<hbm>> -> memref<256x128xf32, #tpu.memory_space<hbm>>
        tpu.enqueue_dma source(%arg10 : memref<256x128xf32, #tpu.memory_space<vmem>>) target(%dma_start3A_168 : memref<256x128xf32, #tpu.memory_space<hbm>>) target_semaphore(%arg16 : memref<!tpu.dma_semaphore, #tpu.memory_space<semaphore_mem>>)
      } else {
      }
    }
    %scan3A_50 = arith.constant 9 : i32
    %dma_wait3A_51 = arith.constant 0 : i32
    %dma_wait3A_52 = arith.constant 0 : i32
    %dma_wait3A_53 = tpu.memref_slice %arg5[%dma_wait3A_51, %dma_wait3A_52] : memref<204800x128xf32, #tpu.memory_space<hbm>> -> memref<256x128xf32, #tpu.memory_space<hbm>>
    %dma_wait3A_54 = arith.constant 0 : i32
    %dma_wait3A_55 = arith.constant 0 : i32
    %dma_wait3A_56 = tpu.memref_slice %arg5[%dma_wait3A_54, %dma_wait3A_55] : memref<204800x128xf32, #tpu.memory_space<hbm>> -> memref<256x128xf32, #tpu.memory_space<hbm>>
    tpu.wait_dma2 semaphore(%arg14 : memref<!tpu.dma_semaphore, #tpu.memory_space<semaphore_mem>>) src(%arg8 : memref<256x128xf32, #tpu.memory_space<vmem>>) dst(%dma_wait3A_56 : memref<256x128xf32, #tpu.memory_space<hbm>>)
    %dma_wait3A_57 = arith.constant 0 : i32
    %dma_wait3A_58 = arith.constant 0 : i32
    %dma_wait3A_59 = tpu.memref_slice %arg5[%dma_wait3A_57, %dma_wait3A_58] : memref<204800x128xf32, #tpu.memory_space<hbm>> -> memref<256x128xf32, #tpu.memory_space<hbm>>
    %dma_wait3A_60 = arith.constant 0 : i32
    %dma_wait3A_61 = arith.constant 0 : i32
    %dma_wait3A_62 = tpu.memref_slice %arg5[%dma_wait3A_60, %dma_wait3A_61] : memref<204800x128xf32, #tpu.memory_space<hbm>> -> memref<256x128xf32, #tpu.memory_space<hbm>>
    tpu.wait_dma2 semaphore(%arg15 : memref<!tpu.dma_semaphore, #tpu.memory_space<semaphore_mem>>) src(%arg9 : memref<256x128xf32, #tpu.memory_space<vmem>>) dst(%dma_wait3A_62 : memref<256x128xf32, #tpu.memory_space<hbm>>)
    %dma_wait3A_63 = arith.constant 0 : i32
    %dma_wait3A_64 = arith.constant 0 : i32
    %dma_wait3A_65 = tpu.memref_slice %arg5[%dma_wait3A_63, %dma_wait3A_64] : memref<204800x128xf32, #tpu.memory_space<hbm>> -> memref<256x128xf32, #tpu.memory_space<hbm>>
    %dma_wait3A_66 = arith.constant 0 : i32
    %dma_wait3A_67 = arith.constant 0 : i32
    %dma_wait3A_68 = tpu.memref_slice %arg5[%dma_wait3A_66, %dma_wait3A_67] : memref<204800x128xf32, #tpu.memory_space<hbm>> -> memref<256x128xf32, #tpu.memory_space<hbm>>
    tpu.wait_dma2 semaphore(%arg16 : memref<!tpu.dma_semaphore, #tpu.memory_space<semaphore_mem>>) src(%arg10 : memref<256x128xf32, #tpu.memory_space<vmem>>) dst(%dma_wait3A_68 : memref<256x128xf32, #tpu.memory_space<hbm>>)
    return
  }
}

</mosaic_0001>

<sc_bundles>
// kernel: kernel.3.cloned.1.call-start
scs
__scs_entry_jumppad:
0x0: {  	(pc) =	sbr.rel $0x88, $3  }
0x1: {  	(tag) =	ssettag $0x0;
	lr =	simm.s32 $0x1  }
0x2: {  	[smem:$0x3F9E] =	sst lr;
	_ =	strace $0xD0000000  }
0x3: {  	_ = 	snop  }
0x4: {  	_ = 	snop  }
0x5: {  	_ = 	snop  }
0x6: {  	_ = 	snop  }
0x7: {  	_ = 	snop  }
__scs_overlays_trampoline_lowered:
0x8: {  	[smem:$0x3FAD] =	sst s0  }
0x9: {  	[smem:$0x3FAE] =	sst s1  }
0xa: {  	[smem:$0x3FAF] =	sst s2  }
0xb: {  	[smem:$0x3FB0] =	sst s3  }
0xc: {  	[smem:$0x3FB1] =	sst s4  }
0xd: {  	[smem:$0x3FB2] =	sst s5  }
0xe: {  	[smem:$0x3FB3] =	sst s6  }
0xf: {  	[smem:$0x3FB4] =	sst s7  }
0x10: {  	[smem:$0x3FB5] =	sst s8  }
0x11: {  	[smem:$0x3FB6] =	sst s9;
	s0 =	simm.s32 @!p0 $0x0  }
0x12: {  	s1 =	sld [smem:$0x3F9C];
	s0 =	simm.s32 @p0 $0x1  }
0x13: {  	[smem:$0x3FB7] =	sst s0;
	s0 =	simm.s32 @!p1 $0x0  }
0x14: {  	s2 =	sld [smem:$0x3F9B];
	s0 =	simm.s32 @p1 $0x1  }
0x15: {  	[smem:$0x3FB8] =	sst s0;
	s0 =	simm.s32 @!p2 $0x0  }
0x16: {  	s3 =	sld [smem:$0x3FDB];
	s0 =	simm.s32 @p2 $0x1  }
0x17: {  	s4 =	simm.s32 $0x1BF5;
	[smem:$0x3FBA] =	sst s0  }
0x18: {  	s0 =	sld [smem:$0x3F9D];
	_ =	swait.ge [sflag:s4], $0x0  }
0x19: {  	s7 =	sld [smem:$0x3F9E]  }
0x1a: {  	s8 =	sadd.s32 $0xFFFFE003, lr  }
0x1b: {  	s9 =	sadd.s32 $0xFFFFFEF7, lr;
	s5 =	simm.s32 $0xFFFFFFFF;
	p2 =	slt.u32 s8, $0xFFFFF086  }
0x1c: {  	p1 =	slt.u32 s9, $0xF7A;
	s5 =	simm.s32 @!p2 $0x0  }
0x1d: {  	s5 =	simm.s32 @p1 $0x1;
	p0 =	seq.s32 s7, s2  }
0x1e: {  	s7 =	smul.u32 @!p0 $0xF7A, s2;
	p2 =	seq.s32 @!p0 s5, $0x0  }
0x1f: {  	s9 =	smul.u32 $0xF7A, s1;
	s8 =	simm.s32 @!p0 $0x1BF5;
	p2 =	por !p2, p0  }
0x20: {  	[sflag:s8] =	ssyncset.s32 @!p0 $0xFFFFF086;
	s6 =	sadd.s32 @!p0 s3, s7;
	s7 =	simm.s32 @!p0 $0x108  }
0x21: {  	s3 =	sadd.s32 s3, s9;
	s6 =	sadd.s32 @!p0 $0x88, s6;
	s7 =	simm.s32 @p2 $0x1082  }
0x22: {  	[simem:s7], [sflag:s8] =	dma.local @!p0 [hbm:s6], $0xF7A  }
0x23: {  	s9 =	sor.u32 $0xD0000000, s2;
	s6 =	simm.s32 $0x108;
	_ =	swait.ge @!p0 [sflag:s8], $0x0  }
0x24: {  	s3 =	sadd.s32 $0x88, s3;
	s6 =	simm.s32 @!p1 $0x1082;
	[sflag:s4] =	ssyncset.s32 $0xFFFFF086  }
0x25: {  	[simem:s6], [sflag:s4] =	dma.local [hbm:s3], $0xF7A  }
0x26: {  	[smem:$0x3F9E] =	sst s1;
	(tag) =	ssettag s2;
	_ =	strace s9  }
0x27: {  	s1 =	sld [smem:$0x3FAE]  }
0x28: {  	s2 =	sld [smem:$0x3FAF]  }
0x29: {  	s4 =	sld [smem:$0x3FB1]  }
0x2a: {  	p0 =	seq.s32 s5, $0x0;
	s5 =	sld [smem:$0x3FB2]  }
0x2b: {  	s6 =	sld [smem:$0x3FB3]  }
0x2c: {  	s7 =	sld [smem:$0x3FB4]  }
0x2d: {  	s3 =	simm.s32 $0x108;
	s8 =	sld [smem:$0x3FB5]  }
0x2e: {  	s3 =	simm.s32 @!p0 $0x1082;
	s9 =	sld [smem:$0x3FB6]  }
0x2f: {  	lr =	sadd.s32 s0, s3;
	s0 =	sld [smem:$0x3FAD]  }
0x30: {  	s3 =	sld [smem:$0x3FB0]  }
0x31: {  	[smem:$0x3FB9] =	sst s10  }
0x32: {  	s10 =	sld [smem:$0x3FB7];
	_ =	sdelay $0x3  }
0x33: {  	p0 =	seq.s32 s10, $0x1;
	s10 =	sld [smem:$0x3FB9];
	_ =	sdelay $0x3  }
0x34: {  	[smem:$0x3FB9] =	sst s10  }
0x35: {  	s10 =	sld [smem:$0x3FB8];
	_ =	sdelay $0x3  }
0x36: {  	p1 =	seq.s32 s10, $0x1;
	s10 =	sld [smem:$0x3FB9];
	_ =	sdelay $0x3  }
0x37: {  	[smem:$0x3FB9] =	sst s10  }
0x38: {  	s10 =	sld [smem:$0x3FBA]  }
0x39: {  	_ = 	snop;
	(pc) =	sbr.ind lr, $3  }
0x3a: {  	_ = 	snop  }
0x3b: {  	_ = 	snop  }
0x3c: {  	p2 =	seq.s32 s10, $0x1;
	s10 =	sld [smem:$0x3FB9]  }
0x3d: {  	_ =	shalt  }
0x3e: {  	_ =	shalt  }
0x3f: {  	_ =	shalt  }
0x40: {  	_ =	shalt  }
0x41: {  	_ =	shalt  }
0x42: {  	_ =	shalt  }
0x43: {  	_ =	shalt  }
0x44: {  	_ =	shalt  }
0x45: {  	_ =	shalt  }
0x46: {  	_ =	shalt  }
0x47: {  	_ =	shalt  }
0x48: {  	_ =	shalt  }
0x49: {  	_ =	shalt  }
0x4a: {  	_ =	shalt  }
0x4b: {  	_ =	shalt  }
0x4c: {  	_ =	shalt  }
0x4d: {  	_ =	shalt  }
0x4e: {  	_ =	shalt  }
0x4f: {  	_ =	shalt  }
0x50: {  	_ =	shalt  }
0x51: {  	_ =	shalt  }
0x52: {  	_ =	shalt  }
0x53: {  	_ =	shalt  }
0x54: {  	_ =	shalt  }
0x55: {  	_ =	shalt  }
0x56: {  	_ =	shalt  }
0x57: {  	_ =	shalt  }
0x58: {  	_ =	shalt  }
0x59: {  	_ =	shalt  }
0x5a: {  	_ =	shalt  }
0x5b: {  	_ =	shalt  }
0x5c: {  	_ =	shalt  }
0x5d: {  	_ =	shalt  }
0x5e: {  	_ =	shalt  }
0x5f: {  	_ =	shalt  }
0x60: {  	_ =	shalt  }
0x61: {  	_ =	shalt  }
0x62: {  	_ =	shalt  }
0x63: {  	_ =	shalt  }
0x64: {  	_ =	shalt  }
0x65: {  	_ =	shalt  }
0x66: {  	_ =	shalt  }
0x67: {  	_ =	shalt  }
0x68: {  	_ =	shalt  }
0x69: {  	_ =	shalt  }
0x6a: {  	_ =	shalt  }
0x6b: {  	_ =	shalt  }
0x6c: {  	_ =	shalt  }
0x6d: {  	_ =	shalt  }
0x6e: {  	_ =	shalt  }
0x6f: {  	_ =	shalt  }
0x70: {  	_ =	shalt  }
0x71: {  	_ =	shalt  }
0x72: {  	_ =	shalt  }
0x73: {  	_ =	shalt  }
0x74: {  	_ =	shalt  }
0x75: {  	_ =	shalt  }
0x76: {  	_ =	shalt  }
0x77: {  	_ =	shalt  }
0x78: {  	_ =	shalt  }
0x79: {  	_ =	shalt  }
0x7a: {  	_ =	shalt  }
0x7b: {  	_ =	shalt  }
0x7c: {  	_ =	shalt  }
0x7d: {  	_ =	shalt  }
0x7e: {  	_ =	shalt  }
0x7f: {  	_ =	shalt  }
0x80: {  	_ =	shalt  }
0x81: {  	_ =	shalt  }
0x82: {  	_ =	shalt  }
0x83: {  	_ =	shalt  }
0x84: {  	_ =	shalt  }
0x85: {  	_ =	shalt  }
0x86: {  	_ =	shalt  }
0x87: {  	_ =	shalt  }
.Lfunc_end0:
.L_simem_size_0:
called_computation_lowered:
.L_overlay_start_0:
0x88: {  	s2 =	sld [smem:$0x3FD9]  }
0x89: {  	s3 =	sld [smem:$0x3FFE];
	_ =	sdelay $0x1  }
0x8a: {  	s1 =	srdreg.scid  }
0x8b: {  	s0 =	sand.u32 $0x1, s1  }
0x8c: {  	s17 =	sshll.u32 s0, $0xA;
	s2 =	sadd.s32 s3, s2  }
0x8d: {  	s2 =	sadd.s32 s2, s17  }
0x8e: {  	[smem:$0x3FC5] =	sst s2  }
0x8f: {  	_ = 	snop  }
0x90: {  	s2 =	sld [smem:$0x3FC8]  }
0x91: {  	s18 =	sld [smem:$0x3FC7]  }
0x92: {  	s4 =	sld [smem:$0x3FD0];
	(tm) =	ssettm $0x1  }
0x93: {  	s5 =	sld [smem:$0x3FFB];
	_ =	sdelay $0x3  }
0x94: {  	_ =	strace s5  }
0x95: {  	s5 =	sld [smem:$0x3FFC];
	_ =	sdelay $0x3  }
0x96: {  	_ =	strace s5  }
0x97: {  	s5 =	sld [smem:$0x3FFD];
	_ =	sdelay $0x3  }
0x98: {  	_ =	strace s5  }
0x99: {  	_ =	strace $0x8FFFFFFF  }
0x9a: {  	s19 =	sld [smem:$0x3FDB];
	_ =	sdelay $0x1  }
0x9b: {  	s6 =	simm.s32 $_scs_section_size  }
0x9c: {  	s7 =	simm.s32 $_size__tile_overlayer_lowered;
	s8 =	simm.s32 $_tile_overlayer_lowered  }
0x9d: {  	s22 =	simm.s32 $0x1BFF;
	s21 =	sshll.u32 s8, $0x1;
	s5 =	sadd.s32 s6, s19  }
0x9e: {  	s9 =	simm.s32 $0x0;
	s20 =	sshll.u32 s7, $0x1;
	s7 =	sadd.s32 s21, s5  }
0x9f: {  	[timem:s9], [sflag:s22] =	dma.local [hbm:s7], s20  }
0xa0: {  	_ =	swait.ge [sflag:s22], s20  }
0xa1: {  	s6 =	ssub.s32 $0x0, s20;
	[sflag:s22] =	ssyncset.done $0x0  }
0xa2: {  	[sflag:s22] =	ssyncadd.s32 s6;
	_ =	sdelay $0x1  }
0xa3: {  	s23 =	simm.s32 $0x1B8B  }
0xa4: {  	_ =	swait.ge [sflag:s23], $0x1  }
0xa5: {  	[sflag:s23] =	ssyncset.done $0x0  }
0xa6: {  	s25 =	simm.s32 $0x1B8E;
	s24 =	sld [smem:$0x3FFE];
	[sflag:s23] =	ssyncadd.s32 $0xFFFFFFFF  }
0xa7: {  	s26 =	simm.s32 $execute0_lowered;
	[smem:$0x3FD2] =	sst s25  }
0xa8: {  	s7 =	sshll.u32 s26, $0x1;
	_ =	strace $0x80000046;
	[dreg:$0x1] =	wrdreg $0xFFFFFFFF  }
0xa9: {  	s28 =	simm.s32 $_size_execute0_lowered;
	s5 =	sadd.s32 s5, s7;
	[dreg:$0x0] =	wrdreg $0x0  }
0xaa: {  	s7 =	sshll.u32 s28, $0x1;
	[dreg:$0x2] =	wrdreg s5  }
0xab: {  	[dreg:$0x3] =	wrdreg s7  }
0xac: {  	[dreg:$0x4] =	wrdreg $0xC0  }
0xad: {  	_ =	task [dreg:s9], $0x5FFFF  }
0xae: {  	[dreg:$0x1] =	wrdreg $0xFFFFFFFF  }
0xaf: {  	[dreg:$0x0] =	wrdreg $0x60  }
0xb0: {  	[dreg:$0x2] =	wrdreg s24  }
0xb1: {  	[dreg:$0x3] =	wrdreg s2  }
0xb2: {  	[dreg:$0x4] =	wrdreg s18  }
0xb3: {  	[dreg:$0x5] =	wrdreg s4  }
0xb4: {  	[dreg:$0x6] =	wrdreg $0x19000  }
0xb5: {  	[dreg:$0x7] =	wrdreg $0x9  }
0xb6: {  	_ =	task.clear_ibuf [dreg:s9], $0x8FFFF;
	_ =	strace $0x90000046  }
0xb7: {  	s29 =	simm.s32 $0x9;
	_ =	strace $0x80000048  }
0xb8: {  	_ =	swait.ge [sflag:s29], $0x1  }
0xb9: {  	[sflag:s29] =	ssyncadd.s32 $0xFFFFFFFF  }
0xba: {  	_ =	strace $0x90000048  }
0xbb: {  	_ =	sfence  }
0xbc: {  	s30 =	sld [smem:$0x0];
	_ =	sdelay $0x2  }
0xbd: {  	s31 =	sshll.u32 s1, $0xD;
	s1 =	sshrl.u32 s1, $0x2  }
0xbe: {  	s3 =	sand.u32 $0x4000, s31;
	s1 =	sadd.s32 s1, s30  }
0xbf: {  	s0 =	sor.u32 s3, s0;
	s1 =	sshll.u32 s1, $0x11  }
0xc0: {  	s0 =	sor.u32 s1, s0  }
0xc1: {  	s0 =	sadd.s32 $0x8F2B, s0  }
0xc2: {  	[sflag:s0] =	ssyncadd.remote.s32 $0x1  }
0xc3: {  	_ =	sfence.sel $0xFFFF  }
0xc4: {  	[dreg:$0x0] =	wrdreg $0xFFFFFFFF;
	(pc) =	sbr.abs _section_cstart, $3  }
0xc5: {  	[dreg:$0x1] =	wrdreg $0xFFFFFFFF  }
0xc6: {  	_ =	task.clear_ibuf [dreg:s9], $0x2FFFF;
	_ =	strace $0x9FFFFFFF  }
0xc7: {  	(tm) =	ssettm $0x7FFFFFFF  }
tec
execute0_lowered:
.L_overlay_start_1:
0x0: {  	(tag) =	ssettag $0x1  }
0x1: {  	s0 =	rddreg [dreg:$0x0]  }
0x2: {  	s2 =	rddreg [dreg:$0x1]  }
0x3: {  	s22 =	rddreg [dreg:$0x2]  }
0x4: {  	s7 =	rddreg [dreg:$0x3]  }
0x5: {  	s1 =	srdreg.scid;
	s17 =	rddreg [dreg:$0x4]  }
0x6: {  	s25 =	rddreg [dreg:$0x5];
	s3 =	sand.u32 $0x1, s1;
	s1 =	simm.s32 $0x0  }
0x7: {  	s8 =	sadd.s32 $0x1C00, s17;
	[smem:$0x7FF] =	sst s1  }
0x8: {  	s20 =	sadd.s32 $0x3800, s17;
	_ =	strace $0x80000047;
	[dreg:$0x6] =	wrdreg s8  }
0x9: {  	s21 =	sadd.s32 $0x5400, s17;
	[dreg:$0x7] =	wrdreg s20  }
0xa: {  	s24 =	sadd.s32 $0xC00, s17;
	[dreg:$0x8] =	wrdreg s21  }
0xb: {  	s28 =	sadd.s32 $0x2800, s17;
	[dreg:$0xa] =	wrdreg s24  }
0xc: {  	s4 =	stileid.u32;
	s30 =	sadd.s32 $0x4400, s17;
	[dreg:$0xc] =	wrdreg s28  }
0xd: {  	s5 =	sshll.u32 s4, $0x1;
	s10 =	sadd.s32 $0x1800, s17;
	[dreg:$0xe] =	wrdreg s30  }
0xe: {  	s12 =	sadd.s32 $0x3400, s17;
	s14 =	sadd.s32 $0x5000, s17;
	[dreg:$0x12] =	wrdreg s10  }
0xf: {  	s16 =	sadd.s32 $0x800, s17;
	s19 =	sadd.s32 $0x2400, s17;
	[dreg:$0x14] =	wrdreg s12  }
0x10: {  	p0 =	sne.s32 s4, $0x0;
	s5 =	sor.u32 s3, s5;
	[dreg:$0x16] =	wrdreg s14  }
0x11: {  	s4 =	sadd.s32 $0xC800, s17;
	s6 =	smul.u32 $0xC8000, s5;
	[dreg:$0x18] =	wrdreg s16  }
0x12: {  	s4 =	sshrl.u32 @!p0 s4, $0x3;
	s9 =	smul.u32 $0x19000, s5;
	[dreg:$0x1a] =	wrdreg s19  }
0x13: {  	s8 =	sadd.s32 $0x6000, s17;
	s5 =	smul.u32 $0x320, s5;
	[smem:$0x7EA] =	sst s4  }
0x14: {  	[dreg:$0x10] =	wrdreg s8  }
0x15: {  	s21 =	sadd.s32 s7, s9;
	s0 =	sadd.s32 s5, s0;
	s5 =	simm.s32 $0x300  }
0x16: {  	s29 =	sadd.s32 $0x3000, s21;
	[smem:$0x7EC] =	sst s5  }
0x17: {  	s11 =	sadd.s32 $0x6000, s21;
	[dreg:$0xd] =	wrdreg s29  }
0x18: {  	s18 =	sadd.s32 $0x9000, s21;
	[dreg:$0x13] =	wrdreg s11  }
0x19: {  	s28 =	sadd.s32 $0xC000, s21;
	[dreg:$0x19] =	wrdreg s18  }
0x1a: {  	s10 =	sadd.s32 $0xF000, s21;
	[dreg:$0x1f] =	wrdreg s28  }
0x1b: {  	s6 =	sshrl.u32 s6, $0x3;
	s16 =	sadd.s32 $0x12000, s21;
	[smem:$0x7D8] =	sst s10  }
0x1c: {  	s6 =	sadd.s32 s7, s6;
	s7 =	simm.s32 $0x400;
	[smem:$0x7DE] =	sst s16  }
0x1d: {  	s23 =	sadd.s32 $0x1000, s6;
	[smem:$0x7ED] =	sst s7  }
0x1e: {  	s26 =	sadd.s32 $0x2000, s6;
	[dreg:$0x9] =	wrdreg s23  }
0x1f: {  	s31 =	sadd.s32 $0x4000, s6;
	[dreg:$0xb] =	wrdreg s26  }
0x20: {  	s9 =	sadd.s32 $0x5000, s6;
	[dreg:$0xf] =	wrdreg s31  }
0x21: {  	s13 =	sadd.s32 $0x7000, s6;
	[dreg:$0x11] =	wrdreg s9  }
0x22: {  	s15 =	sadd.s32 $0x8000, s6;
	[dreg:$0x15] =	wrdreg s13  }
0x23: {  	s20 =	sadd.s32 $0xA000, s6;
	[dreg:$0x17] =	wrdreg s15  }
0x24: {  	s24 =	sadd.s32 $0xB000, s6;
	[dreg:$0x1b] =	wrdreg s20  }
0x25: {  	s29 =	sadd.s32 $0x1400, s17;
	[dreg:$0x1d] =	wrdreg s24  }
0x26: {  	s30 =	sadd.s32 $0xD000, s6;
	[smem:$0x7D3] =	sst s29  }
0x27: {  	s8 =	sadd.s32 $0xE000, s6;
	[smem:$0x7D4] =	sst s30  }
0x28: {  	s11 =	sadd.s32 $0x400, s17;
	[smem:$0x7D6] =	sst s8  }
0x29: {  	s12 =	sadd.s32 $0x10000, s6;
	[smem:$0x7D9] =	sst s11  }
0x2a: {  	s14 =	sadd.s32 $0x11000, s6;
	[smem:$0x7DA] =	sst s12  }
0x2b: {  	s18 =	sadd.s32 $0x5800, s17;
	[smem:$0x7DC] =	sst s14  }
0x2c: {  	s19 =	sadd.s32 $0x13000, s6;
	[smem:$0x7DF] =	sst s18  }
0x2d: {  	s28 =	sadd.s32 $0x4800, s17;
	[smem:$0x7E0] =	sst s19  }
0x2e: {  	s10 =	simm.s32 $0x700;
	[smem:$0x7E5] =	sst s28  }
0x2f: {  	s23 =	sadd.s32 $0x4000, s17;
	[smem:$0x7F0] =	sst s10  }
0x30: {  	s26 =	sadd.s32 $0x5C00, s17;
	[dreg:$0x1c] =	wrdreg s23  }
0x31: {  	s31 =	sadd.s32 $0x3000, s17;
	[dreg:$0x1e] =	wrdreg s26  }
0x32: {  	s9 =	sadd.s32 $0x4C00, s17;
	[smem:$0x7D5] =	sst s31  }
0x33: {  	s13 =	sadd.s32 $0x2000, s17;
	[smem:$0x7D7] =	sst s9  }
0x34: {  	s15 =	sadd.s32 $0x3C00, s17;
	[smem:$0x7DB] =	sst s13  }
0x35: {  	s20 =	sadd.s32 $0x1000, s17;
	[smem:$0x7DD] =	sst s15  }
0x36: {  	p1 =	por $0x0, $0x0;
	s24 =	sadd.s32 $0x2C00, s17;
	[smem:$0x7E1] =	sst s20  }
0x37: {  	s3 =	ssub.s32 $0x2, s3;
	s29 =	sadd.s32 $0x16000, s6;
	[smem:$0x7E3] =	sst s24  }
0x38: {  	s4 =	simm.s32 $0x7;
	s30 =	sadd.s32 $0x18000, s21;
	[smem:$0x7E6] =	sst s29  }
0x39: {  	s5 =	simm.s32 $0xA740;
	s11 =	simm.s32 $0x800;
	[smem:$0x7E8] =	sst s30  }
0x3a: {  	s7 =	simm.s32 $0x100;
	s12 =	simm.s32 $0x900;
	[smem:$0x7F1] =	sst s11  }
0x3b: {  	s8 =	sadd.s32 $0x6400, s17;
	s14 =	simm.s32 $0xB00;
	[smem:$0x7F2] =	sst s12  }
0x3c: {  	s18 =	simm.s32 $0xC00;
	s19 =	simm.s32 $0xD00;
	[smem:$0x7F4] =	sst s14  }
0x3d: {  	s28 =	simm.s32 $0x1100;
	s10 =	simm.s32 $0x5;
	[smem:$0x7F5] =	sst s18  }
0x3e: {  	s23 =	sadd.s32 $0x14000, s6;
	s26 =	sadd.s32 $0x15000, s21;
	[smem:$0x7F6] =	sst s19  }
0x3f: {  	s6 =	sadd.s32 $0x17000, s6;
	s31 =	simm.s32 $0x200;
	[smem:$0x7FA] =	sst s28  }
0x40: {  	s9 =	simm.s32 $0x600;
	s13 =	simm.s32 $0xA00;
	[smem:$0x7E2] =	sst s23  }
0x41: {  	s15 =	simm.s32 $0x8;
	s14 =	simm.s32 $0x9;
	[smem:$0x7E4] =	sst s26  }
0x42: {  	s20 =	simm.s32 $0xE00;
	s24 =	simm.s32 $0xF00;
	[smem:$0x7E7] =	sst s6  }
0x43: {  	s12 =	simm.s32 $0x2;
	s29 =	simm.s32 $0x1200;
	[smem:$0x7EB] =	sst s31  }
0x44: {  	s30 =	simm.s32 $0x1300;
	s6 =	sshrl.u32 @!p0 s8, $0x3;
	[smem:$0x7EF] =	sst s9  }
0x45: {  	s11 =	simm.s32 $0x6;
	[smem:$0x7E9] =	sst s6;
	s6 =	sshrl.u32 s3, $0x1  }
0x46: {  	s19 =	simm.s32 $0x1600;
	[smem:$0x7F3] =	sst s13;
	s3 =	ssub.s32 s3, s6  }
0x47: {  	s18 =	simm.s32 $0x1700;
	[smem:$0x7F7] =	sst s20;
	s16 =	smax.u32 s3, $0x1  }
0x48: {  	s8 =	simm.s32 $0x500;
	[smem:$0x7F8] =	sst s24;
	s16 =	sadd.s32 $0xFFFFFFFF, s16  }
0x49: {  	s23 =	sadd.s32 $0x400, s0;
	[smem:$0x7FB] =	sst s29;
	p2 =	sne.s32 s16, $0x0  }
.Ltmp0:
0x4a: {  	s9 =	simm.s32 $0x1;
	[smem:$0x7FC] =	sst s30;
	(pc) =	sbr.rel @!p2 .LBB2_5-.Ltmp0, $4  }
0x4b: {  	s26 =	simm.s32 $0x1000;
	s13 =	simm.s32 $0x3;
	[smem:$0x7EE] =	sst s8  }
0x4c: {  	s31 =	simm.s32 $0x1400;
	s20 =	simm.s32 $0x1500;
	[smem:$0x7F9] =	sst s26  }
0x4d: {  	s24 =	sshrl.u32 @!p0 s17, $0x3;
	s8 =	simm.s32 $0x4;
	[smem:$0x7FD] =	sst s31  }
0x4e: {  	s26 =	simm.s32 $0x1800;
	s6 =	simm.s32 $0x12740;
	s3 =	simm.s32 $0x2740  }
0x4f: {  	s0 =	simm.s32 @p0 $0x0;
	s26 =	simm.s32 @p0 $0xA  }
0x50: {  	[tilespmem:s0], [sflag:$0xA] =	stream.linear.gather @p0 [hbm4b:s23+s0], $0x1900, $0x38;
	[tilespmem:$0x1A740] =	vst v63  }
0x51: {  	_ =	swait.ge @p0 [sflag:s26], $0x1900  }
0x52: {  	[sflag:s26] =	ssyncset.done @p0 $0x0  }
0x53: {  	s28 =	simm.s32 @!p0 $0x1C07;
	[sflag:s26] =	ssyncadd.s32 @p0 $0xFFFFE700  }
0x54: {  	[spmem:s24], [sflag:s28] =	dma.local @!p0 [hbm:s22], $0xC80  }
0x55: {  	s29 =	sld [smem:$0x7E9];
	_ =	sdelay $0x2  }
0x56: {  	[spmem:s29], [sflag:s28] =	dma.local @!p0 [hbm:s22], $0xC80  }
0x57: {  	s31 =	sld [smem:$0x7EA];
	_ =	sdelay $0x1  }
0x58: {  	s30 =	simm.s32 @!p0 $0xA;
	s29 =	simm.s32 @!p0 $0x0  }
0x59: {  	[spmem:s31], [sflag:s28] =	dma.local @!p0 [hbm:s22], $0x380  }
0x5a: {  	[tilespmem:s29], [sflag:$0xA] =	stream.linear.gather @!p0 [hbm4b:s23+s29], $0x1900, $0x38;
	[tilespmem:$0x1A740] =	vst v63  }
0x5b: {  	_ =	swait.ge @!p0 [sflag:s30], $0x1900  }
0x5c: {  	[sflag:s30] =	ssyncset.done @!p0 $0x0  }
0x5d: {  	s31 =	simm.s32 @!p0 $0x7;
	[sflag:s30] =	ssyncadd.s32 @!p0 $0xFFFFE700  }
0x5e: {  	_ =	swait.ge @!p0 [sflag:s31], $0xC80  }
0x5f: {  	[sflag:s31] =	ssyncset.done @!p0 $0x0  }
0x60: {  	[sflag:s31] =	ssyncadd.s32 @!p0 $0xFFFFF380  }
0x61: {  	_ =	swait.ge @!p0 [sflag:s31], $0xC80  }
0x62: {  	[sflag:s31] =	ssyncset.done @!p0 $0x0  }
0x63: {  	[sflag:s31] =	ssyncadd.s32 @!p0 $0xFFFFF380  }
0x64: {  	_ =	swait.ge @!p0 [sflag:s31], $0x380  }
0x65: {  	[sflag:s31] =	ssyncset.done @!p0 $0x0  }
0x66: {  	[sflag:s31] =	ssyncadd.s32 @!p0 $0xFFFFFC80  }
0x67: {  	[bflag:$0x0] =	sbarrier.arrive $0xFFFF  }
0x68: {  	[tilespmem:s3], [sflag:$0x7] =	stream.linear.gather [spmem:s17], $0x8000, $0x38;
	[tilespmem:$0x1A740] =	vst v63  }
0x69: {  	_ =	swait.ge [sflag:s4], $0x8000  }
0x6a: {  	[sflag:s4] =	ssyncset.done $0x0  }
0x6b: {  	[sflag:s4] =	ssyncadd.s32 $0xFFFF8000  }
0x6c: {  	[tilespmem:s3], [sflag:$0x1] =	stream.indirect.gather.add.f32 [hbm:s2], $0x80, s1, s7, $0xb8;
	[tilespmem:$0x1A740] =	vst v63  }
0x6d: {  	s25 =	rddreg [dreg:$0x6]  }
0x6e: {  	[tilespmem:s5], [sflag:$0x8] =	stream.linear.gather [spmem:s25], $0x8000, $0x38;
	[tilespmem:$0x1A740] =	vst v63  }
0x6f: {  	_ =	swait.ge [sflag:s15], $0x8000  }
0x70: {  	[sflag:s15] =	ssyncset.done $0x0  }
0x71: {  	[sflag:s15] =	ssyncadd.s32 $0xFFFF8000  }
0x72: {  	[tilespmem:s5], [sflag:$0x2] =	stream.indirect.gather.add.f32 [hbm:s2], $0x80, s7, s7, $0xb8;
	[tilespmem:$0x1A740] =	vst v63  }
0x73: {  	s25 =	rddreg [dreg:$0x7]  }
0x74: {  	[tilespmem:s6], [sflag:$0x9] =	stream.linear.gather [spmem:s25], $0x8000, $0x38;
	[tilespmem:$0x1A740] =	vst v63  }
0x75: {  	_ =	swait.ge [sflag:s14], $0x8000  }
0x76: {  	s25 =	sld [smem:$0x7EB]  }
0x77: {  	[sflag:s14] =	ssyncset.done $0x0  }
0x78: {  	[sflag:s14] =	ssyncadd.s32 $0xFFFF8000  }
0x79: {  	[tilespmem:s6], [sflag:$0x3] =	stream.indirect.gather.add.f32 [hbm:s2], $0x80, s25, s7, $0xb8;
	[tilespmem:$0x1A740] =	vst v63  }
0x7a: {  	_ =	swait.ge [sflag:s9], $0x8000  }
0x7b: {  	[sflag:s9] =	ssyncset.done $0x0  }
0x7c: {  	[sflag:s9] =	ssyncadd.s32 $0xFFFF8000  }
0x7d: {  	[hbm4b:s21+s1] =	stream.linear.scatter [tilespmem:s3], [sflag:$0x4], $0x8000, $0x38;
	[tilespmem:$0x1A740] =	vst v63  }
0x7e: {  	_ =	swait.ge [sflag:s8], $0x8000  }
0x7f: {  	[sflag:s8] =	ssyncset.done $0x0  }
0x80: {  	s25 =	rddreg [dreg:$0x8];
	[sflag:s8] =	ssyncadd.s32 $0xFFFF8000  }
0x81: {  	[tilespmem:s3], [sflag:$0x7] =	stream.linear.gather [spmem:s25], $0x8000, $0x38;
	[tilespmem:$0x1A740] =	vst v63  }
0x82: {  	_ =	swait.ge [sflag:s4], $0x8000  }
0x83: {  	s25 =	sld [smem:$0x7EC]  }
0x84: {  	[sflag:s4] =	ssyncset.done $0x0  }
0x85: {  	[sflag:s4] =	ssyncadd.s32 $0xFFFF8000  }
0x86: {  	[tilespmem:s3], [sflag:$0x1] =	stream.indirect.gather.add.f32 [hbm:s2], $0x80, s25, s7, $0xb8;
	[tilespmem:$0x1A740] =	vst v63  }
0x87: {  	_ =	swait.ge [sflag:s12], $0x8000  }
0x88: {  	[sflag:s12] =	ssyncset.done $0x0  }
0x89: {  	s25 =	rddreg [dreg:$0x9];
	[sflag:s12] =	ssyncadd.s32 $0xFFFF8000  }
0x8a: {  	[hbm4b:s25+s1] =	stream.linear.scatter [tilespmem:s5], [sflag:$0x5], $0x8000, $0x38;
	[tilespmem:$0x1A740] =	vst v63  }
0x8b: {  	_ =	swait.ge [sflag:s10], $0x8000  }
0x8c: {  	[sflag:s10] =	ssyncset.done $0x0  }
0x8d: {  	s25 =	rddreg [dreg:$0xa];
	[sflag:s10] =	ssyncadd.s32 $0xFFFF8000  }
0x8e: {  	[tilespmem:s5], [sflag:$0x8] =	stream.linear.gather [spmem:s25], $0x8000, $0x38;
	[tilespmem:$0x1A740] =	vst v63  }
0x8f: {  	_ =	swait.ge [sflag:s15], $0x8000  }
0x90: {  	s25 =	sld [smem:$0x7ED]  }
0x91: {  	[sflag:s15] =	ssyncset.done $0x0  }
0x92: {  	[sflag:s15] =	ssyncadd.s32 $0xFFFF8000  }
0x93: {  	[tilespmem:s5], [sflag:$0x2] =	stream.indirect.gather.add.f32 [hbm:s2], $0x80, s25, s7, $0xb8;
	[tilespmem:$0x1A740] =	vst v63  }
0x94: {  	_ =	swait.ge [sflag:s13], $0x8000  }
0x95: {  	[sflag:s13] =	ssyncset.done $0x0  }
0x96: {  	s25 =	rddreg [dreg:$0xb];
	[sflag:s13] =	ssyncadd.s32 $0xFFFF8000  }
0x97: {  	[hbm4b:s25+s1] =	stream.linear.scatter [tilespmem:s6], [sflag:$0x6], $0x8000, $0x38;
	[tilespmem:$0x1A740] =	vst v63  }
0x98: {  	_ =	swait.ge [sflag:s11], $0x8000  }
0x99: {  	[sflag:s11] =	ssyncset.done $0x0  }
0x9a: {  	s25 =	rddreg [dreg:$0xc];
	[sflag:s11] =	ssyncadd.s32 $0xFFFF8000  }
0x9b: {  	[tilespmem:s6], [sflag:$0x9] =	stream.linear.gather [spmem:s25], $0x8000, $0x38;
	[tilespmem:$0x1A740] =	vst v63  }
0x9c: {  	_ =	swait.ge [sflag:s14], $0x8000  }
0x9d: {  	s25 =	sld [smem:$0x7EE]  }
0x9e: {  	[sflag:s14] =	ssyncset.done $0x0  }
0x9f: {  	[sflag:s14] =	ssyncadd.s32 $0xFFFF8000  }
0xa0: {  	[tilespmem:s6], [sflag:$0x3] =	stream.indirect.gather.add.f32 [hbm:s2], $0x80, s25, s7, $0xb8;
	[tilespmem:$0x1A740] =	vst v63  }
0xa1: {  	_ =	swait.ge [sflag:s9], $0x8000  }
0xa2: {  	[sflag:s9] =	ssyncset.done $0x0  }
0xa3: {  	s25 =	rddreg [dreg:$0xd];
	[sflag:s9] =	ssyncadd.s32 $0xFFFF8000  }
0xa4: {  	[hbm4b:s25+s1] =	stream.linear.scatter [tilespmem:s3], [sflag:$0x4], $0x8000, $0x38;
	[tilespmem:$0x1A740] =	vst v63  }
0xa5: {  	_ =	swait.ge [sflag:s8], $0x8000  }
0xa6: {  	[sflag:s8] =	ssyncset.done $0x0  }
0xa7: {  	s25 =	rddreg [dreg:$0xe];
	[sflag:s8] =	ssyncadd.s32 $0xFFFF8000  }
0xa8: {  	[tilespmem:s3], [sflag:$0x7] =	stream.linear.gather [spmem:s25], $0x8000, $0x38;
	[tilespmem:$0x1A740] =	vst v63  }
0xa9: {  	_ =	swait.ge [sflag:s4], $0x8000  }
0xaa: {  	s25 =	sld [smem:$0x7EF]  }
0xab: {  	[sflag:s4] =	ssyncset.done $0x0  }
0xac: {  	[sflag:s4] =	ssyncadd.s32 $0xFFFF8000  }
0xad: {  	[tilespmem:s3], [sflag:$0x1] =	stream.indirect.gather.add.f32 [hbm:s2], $0x80, s25, s7, $0xb8;
	[tilespmem:$0x1A740] =	vst v63  }
0xae: {  	_ =	swait.ge [sflag:s12], $0x8000  }
0xaf: {  	[sflag:s12] =	ssyncset.done $0x0  }
0xb0: {  	s25 =	rddreg [dreg:$0xf];
	[sflag:s12] =	ssyncadd.s32 $0xFFFF8000  }
0xb1: {  	[hbm4b:s25+s1] =	stream.linear.scatter [tilespmem:s5], [sflag:$0x5], $0x8000, $0x38;
	[tilespmem:$0x1A740] =	vst v63  }
0xb2: {  	_ =	swait.ge [sflag:s10], $0x8000  }
0xb3: {  	[sflag:s10] =	ssyncset.done $0x0  }
0xb4: {  	s25 =	rddreg [dreg:$0x10];
	[sflag:s10] =	ssyncadd.s32 $0xFFFF8000  }
0xb5: {  	[tilespmem:s5], [sflag:$0x8] =	stream.linear.gather [spmem:s25], $0x8000, $0x38;
	[tilespmem:$0x1A740] =	vst v63  }
0xb6: {  	_ =	swait.ge [sflag:s15], $0x8000  }
0xb7: {  	s25 =	sld [smem:$0x7F0]  }
0xb8: {  	[sflag:s15] =	ssyncset.done $0x0  }
0xb9: {  	[sflag:s15] =	ssyncadd.s32 $0xFFFF8000  }
0xba: {  	[tilespmem:s5], [sflag:$0x2] =	stream.indirect.gather.add.f32 [hbm:s2], $0x80, s25, s7, $0xb8;
	[tilespmem:$0x1A740] =	vst v63  }
0xbb: {  	_ =	swait.ge [sflag:s13], $0x8000  }
0xbc: {  	[sflag:s13] =	ssyncset.done $0x0  }
0xbd: {  	s25 =	rddreg [dreg:$0x11];
	[sflag:s13] =	ssyncadd.s32 $0xFFFF8000  }
0xbe: {  	[hbm4b:s25+s1] =	stream.linear.scatter [tilespmem:s6], [sflag:$0x6], $0x8000, $0x38;
	[tilespmem:$0x1A740] =	vst v63  }
0xbf: {  	_ =	swait.ge [sflag:s11], $0x8000  }
0xc0: {  	[sflag:s11] =	ssyncset.done $0x0  }
0xc1: {  	s25 =	rddreg [dreg:$0x12];
	[sflag:s11] =	ssyncadd.s32 $0xFFFF8000  }
0xc2: {  	[tilespmem:s6], [sflag:$0x9] =	stream.linear.gather [spmem:s25], $0x8000, $0x38;
	[tilespmem:$0x1A740] =	vst v63  }
0xc3: {  	_ =	swait.ge [sflag:s14], $0x8000  }
0xc4: {  	s25 =	sld [smem:$0x7F1]  }
0xc5: {  	[sflag:s14] =	ssyncset.done $0x0  }
0xc6: {  	[sflag:s14] =	ssyncadd.s32 $0xFFFF8000  }
0xc7: {  	[tilespmem:s6], [sflag:$0x3] =	stream.indirect.gather.add.f32 [hbm:s2], $0x80, s25, s7, $0xb8;
	[tilespmem:$0x1A740] =	vst v63  }
0xc8: {  	_ =	swait.ge [sflag:s9], $0x8000  }
0xc9: {  	[sflag:s9] =	ssyncset.done $0x0  }
0xca: {  	s25 =	rddreg [dreg:$0x13];
	[sflag:s9] =	ssyncadd.s32 $0xFFFF8000  }
0xcb: {  	[hbm4b:s25+s1] =	stream.linear.scatter [tilespmem:s3], [sflag:$0x4], $0x8000, $0x38;
	[tilespmem:$0x1A740] =	vst v63  }
0xcc: {  	_ =	swait.ge [sflag:s8], $0x8000  }
0xcd: {  	[sflag:s8] =	ssyncset.done $0x0  }
0xce: {  	s25 =	rddreg [dreg:$0x14];
	[sflag:s8] =	ssyncadd.s32 $0xFFFF8000  }
0xcf: {  	[tilespmem:s3], [sflag:$0x7] =	stream.linear.gather [spmem:s25], $0x8000, $0x38;
	[tilespmem:$0x1A740] =	vst v63  }
0xd0: {  	_ =	swait.ge [sflag:s4], $0x8000  }
0xd1: {  	s25 =	sld [smem:$0x7F2]  }
0xd2: {  	[sflag:s4] =	ssyncset.done $0x0  }
0xd3: {  	[sflag:s4] =	ssyncadd.s32 $0xFFFF8000  }
0xd4: {  	[tilespmem:s3], [sflag:$0x1] =	stream.indirect.gather.add.f32 [hbm:s2], $0x80, s25, s7, $0xb8;
	[tilespmem:$0x1A740] =	vst v63  }
0xd5: {  	_ =	swait.ge [sflag:s12], $0x8000  }
0xd6: {  	[sflag:s12] =	ssyncset.done $0x0  }
0xd7: {  	s25 =	rddreg [dreg:$0x15];
	[sflag:s12] =	ssyncadd.s32 $0xFFFF8000  }
0xd8: {  	[hbm4b:s25+s1] =	stream.linear.scatter [tilespmem:s5], [sflag:$0x5], $0x8000, $0x38;
	[tilespmem:$0x1A740] =	vst v63  }
0xd9: {  	_ =	swait.ge [sflag:s10], $0x8000  }
0xda: {  	[sflag:s10] =	ssyncset.done $0x0  }
0xdb: {  	s25 =	rddreg [dreg:$0x16];
	[sflag:s10] =	ssyncadd.s32 $0xFFFF8000  }
0xdc: {  	[tilespmem:s5], [sflag:$0x8] =	stream.linear.gather [spmem:s25], $0x8000, $0x38;
	[tilespmem:$0x1A740] =	vst v63  }
0xdd: {  	_ =	swait.ge [sflag:s15], $0x8000  }
0xde: {  	s25 =	sld [smem:$0x7F3]  }
0xdf: {  	[sflag:s15] =	ssyncset.done $0x0  }
0xe0: {  	[sflag:s15] =	ssyncadd.s32 $0xFFFF8000  }
0xe1: {  	[tilespmem:s5], [sflag:$0x2] =	stream.indirect.gather.add.f32 [hbm:s2], $0x80, s25, s7, $0xb8;
	[tilespmem:$0x1A740] =	vst v63  }
0xe2: {  	_ =	swait.ge [sflag:s13], $0x8000  }
0xe3: {  	[sflag:s13] =	ssyncset.done $0x0  }
0xe4: {  	s25 =	rddreg [dreg:$0x17];
	[sflag:s13] =	ssyncadd.s32 $0xFFFF8000  }
0xe5: {  	[hbm4b:s25+s1] =	stream.linear.scatter [tilespmem:s6], [sflag:$0x6], $0x8000, $0x38;
	[tilespmem:$0x1A740] =	vst v63  }
0xe6: {  	_ =	swait.ge [sflag:s11], $0x8000  }
0xe7: {  	[sflag:s11] =	ssyncset.done $0x0  }
0xe8: {  	s25 =	rddreg [dreg:$0x18];
	[sflag:s11] =	ssyncadd.s32 $0xFFFF8000  }
0xe9: {  	[tilespmem:s6], [sflag:$0x9] =	stream.linear.gather [spmem:s25], $0x8000, $0x38;
	[tilespmem:$0x1A740] =	vst v63  }
0xea: {  	_ =	swait.ge [sflag:s14], $0x8000  }
0xeb: {  	s25 =	sld [smem:$0x7F4]  }
0xec: {  	[sflag:s14] =	ssyncset.done $0x0  }
0xed: {  	[sflag:s14] =	ssyncadd.s32 $0xFFFF8000  }
0xee: {  	[tilespmem:s6], [sflag:$0x3] =	stream.indirect.gather.add.f32 [hbm:s2], $0x80, s25, s7, $0xb8;
	[tilespmem:$0x1A740] =	vst v63  }
0xef: {  	_ =	swait.ge [sflag:s9], $0x8000  }
0xf0: {  	[sflag:s9] =	ssyncset.done $0x0  }
0xf1: {  	s25 =	rddreg [dreg:$0x19];
	[sflag:s9] =	ssyncadd.s32 $0xFFFF8000  }
0xf2: {  	[hbm4b:s25+s1] =	stream.linear.scatter [tilespmem:s3], [sflag:$0x4], $0x8000, $0x38;
	[tilespmem:$0x1A740] =	vst v63  }
0xf3: {  	_ =	swait.ge [sflag:s8], $0x8000  }
0xf4: {  	[sflag:s8] =	ssyncset.done $0x0  }
0xf5: {  	s25 =	rddreg [dreg:$0x1a];
	[sflag:s8] =	ssyncadd.s32 $0xFFFF8000  }
0xf6: {  	[tilespmem:s3], [sflag:$0x7] =	stream.linear.gather [spmem:s25], $0x8000, $0x38;
	[tilespmem:$0x1A740] =	vst v63  }
0xf7: {  	_ =	swait.ge [sflag:s4], $0x8000  }
0xf8: {  	s25 =	sld [smem:$0x7F5]  }
0xf9: {  	[sflag:s4] =	ssyncset.done $0x0  }
0xfa: {  	[sflag:s4] =	ssyncadd.s32 $0xFFFF8000  }
0xfb: {  	[tilespmem:s3], [sflag:$0x1] =	stream.indirect.gather.add.f32 [hbm:s2], $0x80, s25, s7, $0xb8;
	[tilespmem:$0x1A740] =	vst v63  }
0xfc: {  	_ =	swait.ge [sflag:s12], $0x8000  }
0xfd: {  	[sflag:s12] =	ssyncset.done $0x0  }
0xfe: {  	s25 =	rddreg [dreg:$0x1b];
	[sflag:s12] =	ssyncadd.s32 $0xFFFF8000  }
0xff: {  	[hbm4b:s25+s1] =	stream.linear.scatter [tilespmem:s5], [sflag:$0x5], $0x8000, $0x38;
	[tilespmem:$0x1A740] =	vst v63  }
0x100: {  	_ =	swait.ge [sflag:s10], $0x8000  }
0x101: {  	[sflag:s10] =	ssyncset.done $0x0  }
0x102: {  	s25 =	rddreg [dreg:$0x1c];
	[sflag:s10] =	ssyncadd.s32 $0xFFFF8000  }
0x103: {  	[tilespmem:s5], [sflag:$0x8] =	stream.linear.gather [spmem:s25], $0x8000, $0x38;
	[tilespmem:$0x1A740] =	vst v63  }
0x104: {  	_ =	swait.ge [sflag:s15], $0x8000  }
0x105: {  	s25 =	sld [smem:$0x7F6]  }
0x106: {  	[sflag:s15] =	ssyncset.done $0x0  }
0x107: {  	[sflag:s15] =	ssyncadd.s32 $0xFFFF8000  }
0x108: {  	[tilespmem:s5], [sflag:$0x2] =	stream.indirect.gather.add.f32 [hbm:s2], $0x80, s25, s7, $0xb8;
	[tilespmem:$0x1A740] =	vst v63  }
0x109: {  	_ =	swait.ge [sflag:s13], $0x8000  }
0x10a: {  	[sflag:s13] =	ssyncset.done $0x0  }
0x10b: {  	s25 =	rddreg [dreg:$0x1d];
	[sflag:s13] =	ssyncadd.s32 $0xFFFF8000  }
0x10c: {  	[hbm4b:s25+s1] =	stream.linear.scatter [tilespmem:s6], [sflag:$0x6], $0x8000, $0x38;
	[tilespmem:$0x1A740] =	vst v63  }
0x10d: {  	_ =	swait.ge [sflag:s11], $0x8000  }
0x10e: {  	[sflag:s11] =	ssyncset.done $0x0  }
0x10f: {  	s25 =	rddreg [dreg:$0x1e];
	[sflag:s11] =	ssyncadd.s32 $0xFFFF8000  }
0x110: {  	[tilespmem:s6], [sflag:$0x9] =	stream.linear.gather [spmem:s25], $0x8000, $0x38;
	[tilespmem:$0x1A740] =	vst v63  }
0x111: {  	_ =	swait.ge [sflag:s14], $0x8000  }
0x112: {  	s25 =	sld [smem:$0x7F7]  }
0x113: {  	[sflag:s14] =	ssyncset.done $0x0  }
0x114: {  	[sflag:s14] =	ssyncadd.s32 $0xFFFF8000  }
0x115: {  	[tilespmem:s6], [sflag:$0x3] =	stream.indirect.gather.add.f32 [hbm:s2], $0x80, s25, s7, $0xb8;
	[tilespmem:$0x1A740] =	vst v63  }
0x116: {  	_ =	swait.ge [sflag:s9], $0x8000  }
0x117: {  	[sflag:s9] =	ssyncset.done $0x0  }
0x118: {  	s25 =	rddreg [dreg:$0x1f];
	[sflag:s9] =	ssyncadd.s32 $0xFFFF8000  }
0x119: {  	[hbm4b:s25+s1] =	stream.linear.scatter [tilespmem:s3], [sflag:$0x4], $0x8000, $0x38;
	[tilespmem:$0x1A740] =	vst v63  }
0x11a: {  	_ =	swait.ge [sflag:s8], $0x8000  }
0x11b: {  	s25 =	sld [smem:$0x7D3]  }
0x11c: {  	[sflag:s8] =	ssyncset.done $0x0  }
0x11d: {  	[sflag:s8] =	ssyncadd.s32 $0xFFFF8000  }
0x11e: {  	[tilespmem:s3], [sflag:$0x7] =	stream.linear.gather [spmem:s25], $0x8000, $0x38;
	[tilespmem:$0x1A740] =	vst v63  }
0x11f: {  	_ =	swait.ge [sflag:s4], $0x8000  }
0x120: {  	s25 =	sld [smem:$0x7F8]  }
0x121: {  	[sflag:s4] =	ssyncset.done $0x0  }
0x122: {  	[sflag:s4] =	ssyncadd.s32 $0xFFFF8000  }
0x123: {  	[tilespmem:s3], [sflag:$0x1] =	stream.indirect.gather.add.f32 [hbm:s2], $0x80, s25, s7, $0xb8;
	[tilespmem:$0x1A740] =	vst v63  }
0x124: {  	_ =	swait.ge [sflag:s12], $0x8000  }
0x125: {  	s25 =	sld [smem:$0x7D4]  }
0x126: {  	[sflag:s12] =	ssyncset.done $0x0  }
0x127: {  	[sflag:s12] =	ssyncadd.s32 $0xFFFF8000  }
0x128: {  	[hbm4b:s25+s1] =	stream.linear.scatter [tilespmem:s5], [sflag:$0x5], $0x8000, $0x38;
	[tilespmem:$0x1A740] =	vst v63  }
0x129: {  	_ =	swait.ge [sflag:s10], $0x8000  }
0x12a: {  	s25 =	sld [smem:$0x7D5]  }
0x12b: {  	[sflag:s10] =	ssyncset.done $0x0  }
0x12c: {  	[sflag:s10] =	ssyncadd.s32 $0xFFFF8000  }
0x12d: {  	[tilespmem:s5], [sflag:$0x8] =	stream.linear.gather [spmem:s25], $0x8000, $0x38;
	[tilespmem:$0x1A740] =	vst v63  }
0x12e: {  	_ =	swait.ge [sflag:s15], $0x8000  }
0x12f: {  	s25 =	sld [smem:$0x7F9]  }
0x130: {  	[sflag:s15] =	ssyncset.done $0x0  }
0x131: {  	[sflag:s15] =	ssyncadd.s32 $0xFFFF8000  }
0x132: {  	[tilespmem:s5], [sflag:$0x2] =	stream.indirect.gather.add.f32 [hbm:s2], $0x80, s25, s7, $0xb8;
	[tilespmem:$0x1A740] =	vst v63  }
0x133: {  	_ =	swait.ge [sflag:s13], $0x8000  }
0x134: {  	s25 =	sld [smem:$0x7D6]  }
0x135: {  	[sflag:s13] =	ssyncset.done $0x0  }
0x136: {  	[sflag:s13] =	ssyncadd.s32 $0xFFFF8000  }
0x137: {  	[hbm4b:s25+s1] =	stream.linear.scatter [tilespmem:s6], [sflag:$0x6], $0x8000, $0x38;
	[tilespmem:$0x1A740] =	vst v63  }
0x138: {  	_ =	swait.ge [sflag:s11], $0x8000  }
0x139: {  	s25 =	sld [smem:$0x7D7]  }
0x13a: {  	[sflag:s11] =	ssyncset.done $0x0  }
0x13b: {  	[sflag:s11] =	ssyncadd.s32 $0xFFFF8000  }
0x13c: {  	[tilespmem:s6], [sflag:$0x9] =	stream.linear.gather [spmem:s25], $0x8000, $0x38;
	[tilespmem:$0x1A740] =	vst v63  }
0x13d: {  	_ =	swait.ge [sflag:s14], $0x8000  }
0x13e: {  	s25 =	sld [smem:$0x7FA]  }
0x13f: {  	[sflag:s14] =	ssyncset.done $0x0  }
0x140: {  	[sflag:s14] =	ssyncadd.s32 $0xFFFF8000  }
0x141: {  	[tilespmem:s6], [sflag:$0x3] =	stream.indirect.gather.add.f32 [hbm:s2], $0x80, s25, s7, $0xb8;
	[tilespmem:$0x1A740] =	vst v63  }
0x142: {  	_ =	swait.ge [sflag:s9], $0x8000  }
0x143: {  	s25 =	sld [smem:$0x7D8]  }
0x144: {  	[sflag:s9] =	ssyncset.done $0x0  }
0x145: {  	[sflag:s9] =	ssyncadd.s32 $0xFFFF8000  }
0x146: {  	[hbm4b:s25+s1] =	stream.linear.scatter [tilespmem:s3], [sflag:$0x4], $0x8000, $0x38;
	[tilespmem:$0x1A740] =	vst v63  }
0x147: {  	_ =	swait.ge [sflag:s8], $0x8000  }
0x148: {  	s25 =	sld [smem:$0x7D9]  }
0x149: {  	[sflag:s8] =	ssyncset.done $0x0  }
0x14a: {  	[sflag:s8] =	ssyncadd.s32 $0xFFFF8000  }
0x14b: {  	[tilespmem:s3], [sflag:$0x7] =	stream.linear.gather [spmem:s25], $0x8000, $0x38;
	[tilespmem:$0x1A740] =	vst v63  }
0x14c: {  	_ =	swait.ge [sflag:s4], $0x8000  }
0x14d: {  	s25 =	sld [smem:$0x7FB]  }
0x14e: {  	[sflag:s4] =	ssyncset.done $0x0  }
0x14f: {  	[sflag:s4] =	ssyncadd.s32 $0xFFFF8000  }
0x150: {  	[tilespmem:s3], [sflag:$0x1] =	stream.indirect.gather.add.f32 [hbm:s2], $0x80, s25, s7, $0xb8;
	[tilespmem:$0x1A740] =	vst v63  }
0x151: {  	_ =	swait.ge [sflag:s12], $0x8000  }
0x152: {  	s25 =	sld [smem:$0x7DA]  }
0x153: {  	[sflag:s12] =	ssyncset.done $0x0  }
0x154: {  	[sflag:s12] =	ssyncadd.s32 $0xFFFF8000  }
0x155: {  	[hbm4b:s25+s1] =	stream.linear.scatter [tilespmem:s5], [sflag:$0x5], $0x8000, $0x38;
	[tilespmem:$0x1A740] =	vst v63  }
0x156: {  	_ =	swait.ge [sflag:s10], $0x8000  }
0x157: {  	s25 =	sld [smem:$0x7DB]  }
0x158: {  	[sflag:s10] =	ssyncset.done $0x0  }
0x159: {  	[sflag:s10] =	ssyncadd.s32 $0xFFFF8000  }
0x15a: {  	[tilespmem:s5], [sflag:$0x8] =	stream.linear.gather [spmem:s25], $0x8000, $0x38;
	[tilespmem:$0x1A740] =	vst v63  }
0x15b: {  	_ =	swait.ge [sflag:s15], $0x8000  }
0x15c: {  	s25 =	sld [smem:$0x7FC]  }
0x15d: {  	[sflag:s15] =	ssyncset.done $0x0  }
0x15e: {  	[sflag:s15] =	ssyncadd.s32 $0xFFFF8000  }
0x15f: {  	[tilespmem:s5], [sflag:$0x2] =	stream.indirect.gather.add.f32 [hbm:s2], $0x80, s25, s7, $0xb8;
	[tilespmem:$0x1A740] =	vst v63  }
0x160: {  	_ =	swait.ge [sflag:s13], $0x8000  }
0x161: {  	s25 =	sld [smem:$0x7DC]  }
0x162: {  	[sflag:s13] =	ssyncset.done $0x0  }
0x163: {  	[sflag:s13] =	ssyncadd.s32 $0xFFFF8000  }
0x164: {  	[hbm4b:s25+s1] =	stream.linear.scatter [tilespmem:s6], [sflag:$0x6], $0x8000, $0x38;
	[tilespmem:$0x1A740] =	vst v63  }
0x165: {  	_ =	swait.ge [sflag:s11], $0x8000  }
0x166: {  	s25 =	sld [smem:$0x7DD]  }
0x167: {  	[sflag:s11] =	ssyncset.done $0x0  }
0x168: {  	[sflag:s11] =	ssyncadd.s32 $0xFFFF8000  }
0x169: {  	[tilespmem:s6], [sflag:$0x9] =	stream.linear.gather [spmem:s25], $0x8000, $0x38;
	[tilespmem:$0x1A740] =	vst v63  }
0x16a: {  	_ =	swait.ge [sflag:s14], $0x8000  }
0x16b: {  	s25 =	sld [smem:$0x7FD]  }
0x16c: {  	[sflag:s14] =	ssyncset.done $0x0  }
0x16d: {  	[sflag:s14] =	ssyncadd.s32 $0xFFFF8000  }
0x16e: {  	[tilespmem:s6], [sflag:$0x3] =	stream.indirect.gather.add.f32 [hbm:s2], $0x80, s25, s7, $0xb8;
	[tilespmem:$0x1A740] =	vst v63  }
0x16f: {  	_ =	swait.ge [sflag:s9], $0x8000  }
0x170: {  	s25 =	sld [smem:$0x7DE]  }
0x171: {  	[sflag:s9] =	ssyncset.done $0x0  }
0x172: {  	[sflag:s9] =	ssyncadd.s32 $0xFFFF8000  }
0x173: {  	[hbm4b:s25+s1] =	stream.linear.scatter [tilespmem:s3], [sflag:$0x4], $0x8000, $0x38;
	[tilespmem:$0x1A740] =	vst v63  }
0x174: {  	_ =	swait.ge [sflag:s8], $0x8000  }
0x175: {  	s25 =	sld [smem:$0x7DF]  }
0x176: {  	[sflag:s8] =	ssyncset.done $0x0  }
0x177: {  	[sflag:s8] =	ssyncadd.s32 $0xFFFF8000  }
0x178: {  	[tilespmem:s3], [sflag:$0x7] =	stream.linear.gather [spmem:s25], $0x8000, $0x38;
	[tilespmem:$0x1A740] =	vst v63  }
0x179: {  	_ =	swait.ge [sflag:s4], $0x8000  }
0x17a: {  	[sflag:s4] =	ssyncset.done $0x0  }
0x17b: {  	s20 =	simm.s32 $0x1500;
	[sflag:s4] =	ssyncadd.s32 $0xFFFF8000  }
0x17c: {  	[tilespmem:s3], [sflag:$0x1] =	stream.indirect.gather.add.f32 [hbm:s2], $0x80, s20, s7, $0xb8;
	[tilespmem:$0x1A740] =	vst v63  }
0x17d: {  	_ =	swait.ge [sflag:s12], $0x8000  }
0x17e: {  	s20 =	sld [smem:$0x7E0]  }
0x17f: {  	[sflag:s12] =	ssyncset.done $0x0  }
0x180: {  	[sflag:s12] =	ssyncadd.s32 $0xFFFF8000  }
0x181: {  	[hbm4b:s20+s1] =	stream.linear.scatter [tilespmem:s5], [sflag:$0x5], $0x8000, $0x38;
	[tilespmem:$0x1A740] =	vst v63  }
0x182: {  	_ =	swait.ge [sflag:s10], $0x8000  }
0x183: {  	s20 =	sld [smem:$0x7E1]  }
0x184: {  	[sflag:s10] =	ssyncset.done $0x0  }
0x185: {  	[sflag:s10] =	ssyncadd.s32 $0xFFFF8000  }
0x186: {  	[tilespmem:s5], [sflag:$0x8] =	stream.linear.gather [spmem:s20], $0x8000, $0x38;
	[tilespmem:$0x1A740] =	vst v63  }
0x187: {  	_ =	swait.ge [sflag:s15], $0x8000  }
0x188: {  	[sflag:s15] =	ssyncset.done $0x0  }
0x189: {  	s19 =	simm.s32 $0x1600;
	[sflag:s15] =	ssyncadd.s32 $0xFFFF8000  }
0x18a: {  	[tilespmem:s5], [sflag:$0x2] =	stream.indirect.gather.add.f32 [hbm:s2], $0x80, s19, s7, $0xb8;
	[tilespmem:$0x1A740] =	vst v63  }
0x18b: {  	_ =	swait.ge [sflag:s13], $0x8000  }
0x18c: {  	s19 =	sld [smem:$0x7E2]  }
0x18d: {  	[sflag:s13] =	ssyncset.done $0x0  }
0x18e: {  	[sflag:s13] =	ssyncadd.s32 $0xFFFF8000  }
0x18f: {  	[hbm4b:s19+s1] =	stream.linear.scatter [tilespmem:s6], [sflag:$0x6], $0x8000, $0x38;
	[tilespmem:$0x1A740] =	vst v63  }
0x190: {  	_ =	swait.ge [sflag:s11], $0x8000  }
0x191: {  	s19 =	sld [smem:$0x7E3]  }
0x192: {  	[sflag:s11] =	ssyncset.done $0x0  }
0x193: {  	[sflag:s11] =	ssyncadd.s32 $0xFFFF8000  }
0x194: {  	[tilespmem:s6], [sflag:$0x9] =	stream.linear.gather [spmem:s19], $0x8000, $0x38;
	[tilespmem:$0x1A740] =	vst v63  }
0x195: {  	_ =	swait.ge [sflag:s14], $0x8000  }
0x196: {  	[sflag:s14] =	ssyncset.done $0x0  }
0x197: {  	s18 =	simm.s32 $0x1700;
	[sflag:s14] =	ssyncadd.s32 $0xFFFF8000  }
0x198: {  	[tilespmem:s6], [sflag:$0x3] =	stream.indirect.gather.add.f32 [hbm:s2], $0x80, s18, s7, $0xb8;
	[tilespmem:$0x1A740] =	vst v63  }
0x199: {  	_ =	swait.ge [sflag:s9], $0x8000  }
0x19a: {  	s18 =	sld [smem:$0x7E4]  }
0x19b: {  	[sflag:s9] =	ssyncset.done $0x0  }
0x19c: {  	[sflag:s9] =	ssyncadd.s32 $0xFFFF8000  }
0x19d: {  	[hbm4b:s18+s1] =	stream.linear.scatter [tilespmem:s3], [sflag:$0x4], $0x8000, $0x38;
	[tilespmem:$0x1A740] =	vst v63  }
0x19e: {  	_ =	swait.ge [sflag:s8], $0x8000  }
0x19f: {  	s18 =	sld [smem:$0x7E5]  }
0x1a0: {  	[sflag:s8] =	ssyncset.done $0x0  }
0x1a1: {  	[sflag:s8] =	ssyncadd.s32 $0xFFFF8000  }
0x1a2: {  	[tilespmem:s3], [sflag:$0x7] =	stream.linear.gather [spmem:s18], $0x8000, $0x38;
	[tilespmem:$0x1A740] =	vst v63  }
0x1a3: {  	_ =	swait.ge [sflag:s4], $0x8000  }
0x1a4: {  	[sflag:s4] =	ssyncset.done $0x0  }
0x1a5: {  	s0 =	simm.s32 $0x1800;
	[sflag:s4] =	ssyncadd.s32 $0xFFFF8000  }
0x1a6: {  	[tilespmem:s3], [sflag:$0x1] =	stream.indirect.gather.add.f32 [hbm:s2], $0x80, s0, s7, $0xb8;
	[tilespmem:$0x1A740] =	vst v63  }
0x1a7: {  	_ =	swait.ge [sflag:s12], $0x8000  }
0x1a8: {  	s0 =	sld [smem:$0x7E6]  }
0x1a9: {  	[sflag:s12] =	ssyncset.done $0x0  }
0x1aa: {  	[sflag:s12] =	ssyncadd.s32 $0xFFFF8000  }
0x1ab: {  	[hbm4b:s0+s1] =	stream.linear.scatter [tilespmem:s5], [sflag:$0x5], $0x8000, $0x38;
	[tilespmem:$0x1A740] =	vst v63  }
0x1ac: {  	_ =	swait.ge [sflag:s13], $0x8000  }
0x1ad: {  	s0 =	sld [smem:$0x7E7]  }
0x1ae: {  	[sflag:s13] =	ssyncset.done $0x0  }
0x1af: {  	[sflag:s13] =	ssyncadd.s32 $0xFFFF8000  }
0x1b0: {  	[hbm4b:s0+s1] =	stream.linear.scatter [tilespmem:s6], [sflag:$0x6], $0x8000, $0x38;
	[tilespmem:$0x1A740] =	vst v63  }
0x1b1: {  	_ =	swait.ge [sflag:s9], $0x8000  }
0x1b2: {  	s0 =	sld [smem:$0x7E8]  }
0x1b3: {  	[sflag:s9] =	ssyncset.done $0x0  }
0x1b4: {  	[sflag:s9] =	ssyncadd.s32 $0xFFFF8000  }
0x1b5: {  	[hbm4b:s0+s1] =	stream.linear.scatter [tilespmem:s3], [sflag:$0x4], $0x8000, $0x38;
	[tilespmem:$0x1A740] =	vst v63  }
0x1b6: {  	_ =	swait.ge [sflag:s8], $0x8000  }
0x1b7: {  	s0 =	sadd.s32 $0xFFFFFFFF, s16;
	[sflag:s8] =	ssyncset.done $0x0  }
0x1b8: {  	p2 =	sne.s32 s0, $0x0;
	[sflag:s8] =	ssyncadd.s32 $0xFFFF8000  }
.Ltmp1:
0x1b9: {  	_ =	swait.ge [sflag:s10], $0x8000;
	(pc) =	sbr.rel @!p2 .LBB2_2-.Ltmp1, $4  }
0x1ba: {  	[sflag:s10] =	ssyncset.done $0x0  }
0x1bb: {  	p1 =	por $0x1, $0x1;
	[sflag:s10] =	ssyncadd.s32 $0xFFFF8000  }
0x1bc: {  	s25 =	simm.s32 $0x1500;
	s20 =	simm.s32 $0x1600;
	_ =	swait.ge [sflag:s11], $0x8000  }
0x1bd: {  	s19 =	simm.s32 $0x1700;
	s18 =	simm.s32 $0x1800;
	[sflag:s11] =	ssyncset.done $0x0  }
.LBB2_3:
0x1be: {  	[sflag:s11] =	ssyncadd.s32 $0xFFFF8000;
	s16 =	simm.s32 @p0 $0x0  }
0x1bf: {  	[tilespmem:s16], [sflag:$0xA] =	stream.linear.gather @p0 [hbm4b:s23+s16], $0x1900, $0x38;
	[tilespmem:$0x1A740] =	vst v63  }
0x1c0: {  	_ =	swait.ge @p0 [sflag:s26], $0x1900  }
0x1c1: {  	[sflag:s26] =	ssyncset.done @p0 $0x0  }
0x1c2: {  	[sflag:s26] =	ssyncadd.s32 @p0 $0xFFFFE700  }
0x1c3: {  	[spmem:s24], [sflag:s28] =	dma.local @!p0 [hbm:s22], $0xC80  }
0x1c4: {  	s16 =	sld [smem:$0x7E9];
	_ =	sdelay $0x2  }
0x1c5: {  	[spmem:s16], [sflag:s28] =	dma.local @!p0 [hbm:s22], $0xC80  }
0x1c6: {  	s16 =	sld [smem:$0x7EA];
	_ =	sdelay $0x2  }
0x1c7: {  	[spmem:s16], [sflag:s28] =	dma.local @!p0 [hbm:s22], $0x380  }
0x1c8: {  	[tilespmem:s29], [sflag:$0xA] =	stream.linear.gather @!p0 [hbm4b:s23+s29], $0x1900, $0x38;
	[tilespmem:$0x1A740] =	vst v63  }
0x1c9: {  	_ =	swait.ge @!p0 [sflag:s30], $0x1900  }
0x1ca: {  	[sflag:s30] =	ssyncset.done @!p0 $0x0  }
0x1cb: {  	[sflag:s30] =	ssyncadd.s32 @!p0 $0xFFFFE700  }
0x1cc: {  	_ =	swait.ge @!p0 [sflag:s31], $0xC80  }
0x1cd: {  	[sflag:s31] =	ssyncset.done @!p0 $0x0  }
0x1ce: {  	[sflag:s31] =	ssyncadd.s32 @!p0 $0xFFFFF380  }
0x1cf: {  	_ =	swait.ge @!p0 [sflag:s31], $0xC80  }
0x1d0: {  	[sflag:s31] =	ssyncset.done @!p0 $0x0  }
0x1d1: {  	[sflag:s31] =	ssyncadd.s32 @!p0 $0xFFFFF380  }
0x1d2: {  	_ =	swait.ge @!p0 [sflag:s31], $0x380  }
0x1d3: {  	[sflag:s31] =	ssyncset.done @!p0 $0x0  }
0x1d4: {  	[sflag:s31] =	ssyncadd.s32 @!p0 $0xFFFFFC80  }
0x1d5: {  	[bflag:$0x0] =	sbarrier.arrive $0xFFFF  }
0x1d6: {  	[tilespmem:s3], [sflag:$0x7] =	stream.linear.gather [spmem:s17], $0x8000, $0x38;
	[tilespmem:$0x1A740] =	vst v63  }
0x1d7: {  	_ =	swait.ge [sflag:s4], $0x8000  }
0x1d8: {  	[sflag:s4] =	ssyncset.done $0x0  }
0x1d9: {  	[sflag:s4] =	ssyncadd.s32 $0xFFFF8000  }
0x1da: {  	[tilespmem:s3], [sflag:$0x1] =	stream.indirect.gather.add.f32 [hbm:s2], $0x80, s1, s7, $0xb8;
	[tilespmem:$0x1A740] =	vst v63  }
0x1db: {  	s16 =	rddreg [dreg:$0x6]  }
0x1dc: {  	[tilespmem:s5], [sflag:$0x8] =	stream.linear.gather [spmem:s16], $0x8000, $0x38;
	[tilespmem:$0x1A740] =	vst v63  }
0x1dd: {  	_ =	swait.ge [sflag:s15], $0x8000  }
0x1de: {  	[sflag:s15] =	ssyncset.done $0x0  }
0x1df: {  	[sflag:s15] =	ssyncadd.s32 $0xFFFF8000  }
0x1e0: {  	[tilespmem:s5], [sflag:$0x2] =	stream.indirect.gather.add.f32 [hbm:s2], $0x80, s7, s7, $0xb8;
	[tilespmem:$0x1A740] =	vst v63  }
0x1e1: {  	s16 =	rddreg [dreg:$0x7]  }
0x1e2: {  	[tilespmem:s6], [sflag:$0x9] =	stream.linear.gather [spmem:s16], $0x8000, $0x38;
	[tilespmem:$0x1A740] =	vst v63  }
0x1e3: {  	_ =	swait.ge [sflag:s14], $0x8000  }
0x1e4: {  	s16 =	sld [smem:$0x7EB]  }
0x1e5: {  	[sflag:s14] =	ssyncset.done $0x0  }
0x1e6: {  	[sflag:s14] =	ssyncadd.s32 $0xFFFF8000  }
0x1e7: {  	[tilespmem:s6], [sflag:$0x3] =	stream.indirect.gather.add.f32 [hbm:s2], $0x80, s16, s7, $0xb8;
	[tilespmem:$0x1A740] =	vst v63  }
0x1e8: {  	_ =	swait.ge [sflag:s9], $0x8000  }
0x1e9: {  	[sflag:s9] =	ssyncset.done $0x0  }
0x1ea: {  	[sflag:s9] =	ssyncadd.s32 $0xFFFF8000  }
0x1eb: {  	[hbm4b:s21+s1] =	stream.linear.scatter [tilespmem:s3], [sflag:$0x4], $0x8000, $0x38;
	[tilespmem:$0x1A740] =	vst v63  }
0x1ec: {  	_ =	swait.ge [sflag:s8], $0x8000  }
0x1ed: {  	[sflag:s8] =	ssyncset.done $0x0  }
0x1ee: {  	s16 =	rddreg [dreg:$0x8];
	[sflag:s8] =	ssyncadd.s32 $0xFFFF8000  }
0x1ef: {  	[tilespmem:s3], [sflag:$0x7] =	stream.linear.gather [spmem:s16], $0x8000, $0x38;
	[tilespmem:$0x1A740] =	vst v63  }
0x1f0: {  	_ =	swait.ge [sflag:s4], $0x8000  }
0x1f1: {  	s16 =	sld [smem:$0x7EC]  }
0x1f2: {  	[sflag:s4] =	ssyncset.done $0x0  }
0x1f3: {  	[sflag:s4] =	ssyncadd.s32 $0xFFFF8000  }
0x1f4: {  	[tilespmem:s3], [sflag:$0x1] =	stream.indirect.gather.add.f32 [hbm:s2], $0x80, s16, s7, $0xb8;
	[tilespmem:$0x1A740] =	vst v63  }
0x1f5: {  	_ =	swait.ge [sflag:s12], $0x8000  }
0x1f6: {  	[sflag:s12] =	ssyncset.done $0x0  }
0x1f7: {  	s16 =	rddreg [dreg:$0x9];
	[sflag:s12] =	ssyncadd.s32 $0xFFFF8000  }
0x1f8: {  	[hbm4b:s16+s1] =	stream.linear.scatter [tilespmem:s5], [sflag:$0x5], $0x8000, $0x38;
	[tilespmem:$0x1A740] =	vst v63  }
0x1f9: {  	_ =	swait.ge [sflag:s10], $0x8000  }
0x1fa: {  	[sflag:s10] =	ssyncset.done $0x0  }
0x1fb: {  	s16 =	rddreg [dreg:$0xa];
	[sflag:s10] =	ssyncadd.s32 $0xFFFF8000  }
0x1fc: {  	[tilespmem:s5], [sflag:$0x8] =	stream.linear.gather [spmem:s16], $0x8000, $0x38;
	[tilespmem:$0x1A740] =	vst v63  }
0x1fd: {  	_ =	swait.ge [sflag:s15], $0x8000  }
0x1fe: {  	s16 =	sld [smem:$0x7ED]  }
0x1ff: {  	[sflag:s15] =	ssyncset.done $0x0  }
0x200: {  	[sflag:s15] =	ssyncadd.s32 $0xFFFF8000  }
0x201: {  	[tilespmem:s5], [sflag:$0x2] =	stream.indirect.gather.add.f32 [hbm:s2], $0x80, s16, s7, $0xb8;
	[tilespmem:$0x1A740] =	vst v63  }
0x202: {  	_ =	swait.ge [sflag:s13], $0x8000  }
0x203: {  	[sflag:s13] =	ssyncset.done $0x0  }
0x204: {  	s16 =	rddreg [dreg:$0xb];
	[sflag:s13] =	ssyncadd.s32 $0xFFFF8000  }
0x205: {  	[hbm4b:s16+s1] =	stream.linear.scatter [tilespmem:s6], [sflag:$0x6], $0x8000, $0x38;
	[tilespmem:$0x1A740] =	vst v63  }
0x206: {  	_ =	swait.ge [sflag:s11], $0x8000  }
0x207: {  	[sflag:s11] =	ssyncset.done $0x0  }
0x208: {  	s16 =	rddreg [dreg:$0xc];
	[sflag:s11] =	ssyncadd.s32 $0xFFFF8000  }
0x209: {  	[tilespmem:s6], [sflag:$0x9] =	stream.linear.gather [spmem:s16], $0x8000, $0x38;
	[tilespmem:$0x1A740] =	vst v63  }
0x20a: {  	_ =	swait.ge [sflag:s14], $0x8000  }
0x20b: {  	s16 =	sld [smem:$0x7EE]  }
0x20c: {  	[sflag:s14] =	ssyncset.done $0x0  }
0x20d: {  	[sflag:s14] =	ssyncadd.s32 $0xFFFF8000  }
0x20e: {  	[tilespmem:s6], [sflag:$0x3] =	stream.indirect.gather.add.f32 [hbm:s2], $0x80, s16, s7, $0xb8;
	[tilespmem:$0x1A740] =	vst v63  }
0x20f: {  	_ =	swait.ge [sflag:s9], $0x8000  }
0x210: {  	[sflag:s9] =	ssyncset.done $0x0  }
0x211: {  	s16 =	rddreg [dreg:$0xd];
	[sflag:s9] =	ssyncadd.s32 $0xFFFF8000  }
0x212: {  	[hbm4b:s16+s1] =	stream.linear.scatter [tilespmem:s3], [sflag:$0x4], $0x8000, $0x38;
	[tilespmem:$0x1A740] =	vst v63  }
0x213: {  	_ =	swait.ge [sflag:s8], $0x8000  }
0x214: {  	[sflag:s8] =	ssyncset.done $0x0  }
0x215: {  	s16 =	rddreg [dreg:$0xe];
	[sflag:s8] =	ssyncadd.s32 $0xFFFF8000  }
0x216: {  	[tilespmem:s3], [sflag:$0x7] =	stream.linear.gather [spmem:s16], $0x8000, $0x38;
	[tilespmem:$0x1A740] =	vst v63  }
0x217: {  	_ =	swait.ge [sflag:s4], $0x8000  }
0x218: {  	s16 =	sld [smem:$0x7EF]  }
0x219: {  	[sflag:s4] =	ssyncset.done $0x0  }
0x21a: {  	[sflag:s4] =	ssyncadd.s32 $0xFFFF8000  }
0x21b: {  	[tilespmem:s3], [sflag:$0x1] =	stream.indirect.gather.add.f32 [hbm:s2], $0x80, s16, s7, $0xb8;
	[tilespmem:$0x1A740] =	vst v63  }
0x21c: {  	_ =	swait.ge [sflag:s12], $0x8000  }
0x21d: {  	[sflag:s12] =	ssyncset.done $0x0  }
0x21e: {  	s16 =	rddreg [dreg:$0xf];
	[sflag:s12] =	ssyncadd.s32 $0xFFFF8000  }
0x21f: {  	[hbm4b:s16+s1] =	stream.linear.scatter [tilespmem:s5], [sflag:$0x5], $0x8000, $0x38;
	[tilespmem:$0x1A740] =	vst v63  }
0x220: {  	_ =	swait.ge [sflag:s10], $0x8000  }
0x221: {  	[sflag:s10] =	ssyncset.done $0x0  }
0x222: {  	s16 =	rddreg [dreg:$0x10];
	[sflag:s10] =	ssyncadd.s32 $0xFFFF8000  }
0x223: {  	[tilespmem:s5], [sflag:$0x8] =	stream.linear.gather [spmem:s16], $0x8000, $0x38;
	[tilespmem:$0x1A740] =	vst v63  }
0x224: {  	_ =	swait.ge [sflag:s15], $0x8000  }
0x225: {  	s16 =	sld [smem:$0x7F0]  }
0x226: {  	[sflag:s15] =	ssyncset.done $0x0  }
0x227: {  	[sflag:s15] =	ssyncadd.s32 $0xFFFF8000  }
0x228: {  	[tilespmem:s5], [sflag:$0x2] =	stream.indirect.gather.add.f32 [hbm:s2], $0x80, s16, s7, $0xb8;
	[tilespmem:$0x1A740] =	vst v63  }
0x229: {  	_ =	swait.ge [sflag:s13], $0x8000  }
0x22a: {  	[sflag:s13] =	ssyncset.done $0x0  }
0x22b: {  	s16 =	rddreg [dreg:$0x11];
	[sflag:s13] =	ssyncadd.s32 $0xFFFF8000  }
0x22c: {  	[hbm4b:s16+s1] =	stream.linear.scatter [tilespmem:s6], [sflag:$0x6], $0x8000, $0x38;
	[tilespmem:$0x1A740] =	vst v63  }
0x22d: {  	_ =	swait.ge [sflag:s11], $0x8000  }
0x22e: {  	[sflag:s11] =	ssyncset.done $0x0  }
0x22f: {  	s16 =	rddreg [dreg:$0x12];
	[sflag:s11] =	ssyncadd.s32 $0xFFFF8000  }
0x230: {  	[tilespmem:s6], [sflag:$0x9] =	stream.linear.gather [spmem:s16], $0x8000, $0x38;
	[tilespmem:$0x1A740] =	vst v63  }
0x231: {  	_ =	swait.ge [sflag:s14], $0x8000  }
0x232: {  	s16 =	sld [smem:$0x7F1]  }
0x233: {  	[sflag:s14] =	ssyncset.done $0x0  }
0x234: {  	[sflag:s14] =	ssyncadd.s32 $0xFFFF8000  }
0x235: {  	[tilespmem:s6], [sflag:$0x3] =	stream.indirect.gather.add.f32 [hbm:s2], $0x80, s16, s7, $0xb8;
	[tilespmem:$0x1A740] =	vst v63  }
0x236: {  	_ =	swait.ge [sflag:s9], $0x8000  }
0x237: {  	[sflag:s9] =	ssyncset.done $0x0  }
0x238: {  	s16 =	rddreg [dreg:$0x13];
	[sflag:s9] =	ssyncadd.s32 $0xFFFF8000  }
0x239: {  	[hbm4b:s16+s1] =	stream.linear.scatter [tilespmem:s3], [sflag:$0x4], $0x8000, $0x38;
	[tilespmem:$0x1A740] =	vst v63  }
0x23a: {  	_ =	swait.ge [sflag:s8], $0x8000  }
0x23b: {  	[sflag:s8] =	ssyncset.done $0x0  }
0x23c: {  	s16 =	rddreg [dreg:$0x14];
	[sflag:s8] =	ssyncadd.s32 $0xFFFF8000  }
0x23d: {  	[tilespmem:s3], [sflag:$0x7] =	stream.linear.gather [spmem:s16], $0x8000, $0x38;
	[tilespmem:$0x1A740] =	vst v63  }
0x23e: {  	_ =	swait.ge [sflag:s4], $0x8000  }
0x23f: {  	s16 =	sld [smem:$0x7F2]  }
0x240: {  	[sflag:s4] =	ssyncset.done $0x0  }
0x241: {  	[sflag:s4] =	ssyncadd.s32 $0xFFFF8000  }
0x242: {  	[tilespmem:s3], [sflag:$0x1] =	stream.indirect.gather.add.f32 [hbm:s2], $0x80, s16, s7, $0xb8;
	[tilespmem:$0x1A740] =	vst v63  }
0x243: {  	_ =	swait.ge [sflag:s12], $0x8000  }
0x244: {  	[sflag:s12] =	ssyncset.done $0x0  }
0x245: {  	s16 =	rddreg [dreg:$0x15];
	[sflag:s12] =	ssyncadd.s32 $0xFFFF8000  }
0x246: {  	[hbm4b:s16+s1] =	stream.linear.scatter [tilespmem:s5], [sflag:$0x5], $0x8000, $0x38;
	[tilespmem:$0x1A740] =	vst v63  }
0x247: {  	_ =	swait.ge [sflag:s10], $0x8000  }
0x248: {  	[sflag:s10] =	ssyncset.done $0x0  }
0x249: {  	s16 =	rddreg [dreg:$0x16];
	[sflag:s10] =	ssyncadd.s32 $0xFFFF8000  }
0x24a: {  	[tilespmem:s5], [sflag:$0x8] =	stream.linear.gather [spmem:s16], $0x8000, $0x38;
	[tilespmem:$0x1A740] =	vst v63  }
0x24b: {  	_ =	swait.ge [sflag:s15], $0x8000  }
0x24c: {  	s16 =	sld [smem:$0x7F3]  }
0x24d: {  	[sflag:s15] =	ssyncset.done $0x0  }
0x24e: {  	[sflag:s15] =	ssyncadd.s32 $0xFFFF8000  }
0x24f: {  	[tilespmem:s5], [sflag:$0x2] =	stream.indirect.gather.add.f32 [hbm:s2], $0x80, s16, s7, $0xb8;
	[tilespmem:$0x1A740] =	vst v63  }
0x250: {  	_ =	swait.ge [sflag:s13], $0x8000  }
0x251: {  	[sflag:s13] =	ssyncset.done $0x0  }
0x252: {  	s16 =	rddreg [dreg:$0x17];
	[sflag:s13] =	ssyncadd.s32 $0xFFFF8000  }
0x253: {  	[hbm4b:s16+s1] =	stream.linear.scatter [tilespmem:s6], [sflag:$0x6], $0x8000, $0x38;
	[tilespmem:$0x1A740] =	vst v63  }
0x254: {  	_ =	swait.ge [sflag:s11], $0x8000  }
0x255: {  	[sflag:s11] =	ssyncset.done $0x0  }
0x256: {  	s16 =	rddreg [dreg:$0x18];
	[sflag:s11] =	ssyncadd.s32 $0xFFFF8000  }
0x257: {  	[tilespmem:s6], [sflag:$0x9] =	stream.linear.gather [spmem:s16], $0x8000, $0x38;
	[tilespmem:$0x1A740] =	vst v63  }
0x258: {  	_ =	swait.ge [sflag:s14], $0x8000  }
0x259: {  	s16 =	sld [smem:$0x7F4]  }
0x25a: {  	[sflag:s14] =	ssyncset.done $0x0  }
0x25b: {  	[sflag:s14] =	ssyncadd.s32 $0xFFFF8000  }
0x25c: {  	[tilespmem:s6], [sflag:$0x3] =	stream.indirect.gather.add.f32 [hbm:s2], $0x80, s16, s7, $0xb8;
	[tilespmem:$0x1A740] =	vst v63  }
0x25d: {  	_ =	swait.ge [sflag:s9], $0x8000  }
0x25e: {  	[sflag:s9] =	ssyncset.done $0x0  }
0x25f: {  	s16 =	rddreg [dreg:$0x19];
	[sflag:s9] =	ssyncadd.s32 $0xFFFF8000  }
0x260: {  	[hbm4b:s16+s1] =	stream.linear.scatter [tilespmem:s3], [sflag:$0x4], $0x8000, $0x38;
	[tilespmem:$0x1A740] =	vst v63  }
0x261: {  	_ =	swait.ge [sflag:s8], $0x8000  }
0x262: {  	[sflag:s8] =	ssyncset.done $0x0  }
0x263: {  	s16 =	rddreg [dreg:$0x1a];
	[sflag:s8] =	ssyncadd.s32 $0xFFFF8000  }
0x264: {  	[tilespmem:s3], [sflag:$0x7] =	stream.linear.gather [spmem:s16], $0x8000, $0x38;
	[tilespmem:$0x1A740] =	vst v63  }
0x265: {  	_ =	swait.ge [sflag:s4], $0x8000  }
0x266: {  	s16 =	sld [smem:$0x7F5]  }
0x267: {  	[sflag:s4] =	ssyncset.done $0x0  }
0x268: {  	[sflag:s4] =	ssyncadd.s32 $0xFFFF8000  }
0x269: {  	[tilespmem:s3], [sflag:$0x1] =	stream.indirect.gather.add.f32 [hbm:s2], $0x80, s16, s7, $0xb8;
	[tilespmem:$0x1A740] =	vst v63  }
0x26a: {  	_ =	swait.ge [sflag:s12], $0x8000  }
0x26b: {  	[sflag:s12] =	ssyncset.done $0x0  }
0x26c: {  	s16 =	rddreg [dreg:$0x1b];
	[sflag:s12] =	ssyncadd.s32 $0xFFFF8000  }
0x26d: {  	[hbm4b:s16+s1] =	stream.linear.scatter [tilespmem:s5], [sflag:$0x5], $0x8000, $0x38;
	[tilespmem:$0x1A740] =	vst v63  }
0x26e: {  	_ =	swait.ge [sflag:s10], $0x8000  }
0x26f: {  	[sflag:s10] =	ssyncset.done $0x0  }
0x270: {  	s16 =	rddreg [dreg:$0x1c];
	[sflag:s10] =	ssyncadd.s32 $0xFFFF8000  }
0x271: {  	[tilespmem:s5], [sflag:$0x8] =	stream.linear.gather [spmem:s16], $0x8000, $0x38;
	[tilespmem:$0x1A740] =	vst v63  }
0x272: {  	_ =	swait.ge [sflag:s15], $0x8000  }
0x273: {  	s16 =	sld [smem:$0x7F6]  }
0x274: {  	[sflag:s15] =	ssyncset.done $0x0  }
0x275: {  	[sflag:s15] =	ssyncadd.s32 $0xFFFF8000  }
0x276: {  	[tilespmem:s5], [sflag:$0x2] =	stream.indirect.gather.add.f32 [hbm:s2], $0x80, s16, s7, $0xb8;
	[tilespmem:$0x1A740] =	vst v63  }
0x277: {  	_ =	swait.ge [sflag:s13], $0x8000  }
0x278: {  	[sflag:s13] =	ssyncset.done $0x0  }
0x279: {  	s16 =	rddreg [dreg:$0x1d];
	[sflag:s13] =	ssyncadd.s32 $0xFFFF8000  }
0x27a: {  	[hbm4b:s16+s1] =	stream.linear.scatter [tilespmem:s6], [sflag:$0x6], $0x8000, $0x38;
	[tilespmem:$0x1A740] =	vst v63  }
0x27b: {  	_ =	swait.ge [sflag:s11], $0x8000  }
0x27c: {  	[sflag:s11] =	ssyncset.done $0x0  }
0x27d: {  	s16 =	rddreg [dreg:$0x1e];
	[sflag:s11] =	ssyncadd.s32 $0xFFFF8000  }
0x27e: {  	[tilespmem:s6], [sflag:$0x9] =	stream.linear.gather [spmem:s16], $0x8000, $0x38;
	[tilespmem:$0x1A740] =	vst v63  }
0x27f: {  	_ =	swait.ge [sflag:s14], $0x8000  }
0x280: {  	s16 =	sld [smem:$0x7F7]  }
0x281: {  	[sflag:s14] =	ssyncset.done $0x0  }
0x282: {  	[sflag:s14] =	ssyncadd.s32 $0xFFFF8000  }
0x283: {  	[tilespmem:s6], [sflag:$0x3] =	stream.indirect.gather.add.f32 [hbm:s2], $0x80, s16, s7, $0xb8;
	[tilespmem:$0x1A740] =	vst v63  }
0x284: {  	_ =	swait.ge [sflag:s9], $0x8000  }
0x285: {  	[sflag:s9] =	ssyncset.done $0x0  }
0x286: {  	s16 =	rddreg [dreg:$0x1f];
	[sflag:s9] =	ssyncadd.s32 $0xFFFF8000  }
0x287: {  	[hbm4b:s16+s1] =	stream.linear.scatter [tilespmem:s3], [sflag:$0x4], $0x8000, $0x38;
	[tilespmem:$0x1A740] =	vst v63  }
0x288: {  	_ =	swait.ge [sflag:s8], $0x8000  }
0x289: {  	s16 =	sld [smem:$0x7D3]  }
0x28a: {  	[sflag:s8] =	ssyncset.done $0x0  }
0x28b: {  	[sflag:s8] =	ssyncadd.s32 $0xFFFF8000  }
0x28c: {  	[tilespmem:s3], [sflag:$0x7] =	stream.linear.gather [spmem:s16], $0x8000, $0x38;
	[tilespmem:$0x1A740] =	vst v63  }
0x28d: {  	_ =	swait.ge [sflag:s4], $0x8000  }
0x28e: {  	s16 =	sld [smem:$0x7F8]  }
0x28f: {  	[sflag:s4] =	ssyncset.done $0x0  }
0x290: {  	[sflag:s4] =	ssyncadd.s32 $0xFFFF8000  }
0x291: {  	[tilespmem:s3], [sflag:$0x1] =	stream.indirect.gather.add.f32 [hbm:s2], $0x80, s16, s7, $0xb8;
	[tilespmem:$0x1A740] =	vst v63  }
0x292: {  	_ =	swait.ge [sflag:s12], $0x8000  }
0x293: {  	s16 =	sld [smem:$0x7D4]  }
0x294: {  	[sflag:s12] =	ssyncset.done $0x0  }
0x295: {  	[sflag:s12] =	ssyncadd.s32 $0xFFFF8000  }
0x296: {  	[hbm4b:s16+s1] =	stream.linear.scatter [tilespmem:s5], [sflag:$0x5], $0x8000, $0x38;
	[tilespmem:$0x1A740] =	vst v63  }
0x297: {  	_ =	swait.ge [sflag:s10], $0x8000  }
0x298: {  	s16 =	sld [smem:$0x7D5]  }
0x299: {  	[sflag:s10] =	ssyncset.done $0x0  }
0x29a: {  	[sflag:s10] =	ssyncadd.s32 $0xFFFF8000  }
0x29b: {  	[tilespmem:s5], [sflag:$0x8] =	stream.linear.gather [spmem:s16], $0x8000, $0x38;
	[tilespmem:$0x1A740] =	vst v63  }
0x29c: {  	_ =	swait.ge [sflag:s15], $0x8000  }
0x29d: {  	s16 =	sld [smem:$0x7F9]  }
0x29e: {  	[sflag:s15] =	ssyncset.done $0x0  }
0x29f: {  	[sflag:s15] =	ssyncadd.s32 $0xFFFF8000  }
0x2a0: {  	[tilespmem:s5], [sflag:$0x2] =	stream.indirect.gather.add.f32 [hbm:s2], $0x80, s16, s7, $0xb8;
	[tilespmem:$0x1A740] =	vst v63  }
0x2a1: {  	_ =	swait.ge [sflag:s13], $0x8000  }
0x2a2: {  	s16 =	sld [smem:$0x7D6]  }
0x2a3: {  	[sflag:s13] =	ssyncset.done $0x0  }
0x2a4: {  	[sflag:s13] =	ssyncadd.s32 $0xFFFF8000  }
0x2a5: {  	[hbm4b:s16+s1] =	stream.linear.scatter [tilespmem:s6], [sflag:$0x6], $0x8000, $0x38;
	[tilespmem:$0x1A740] =	vst v63  }
0x2a6: {  	_ =	swait.ge [sflag:s11], $0x8000  }
0x2a7: {  	s16 =	sld [smem:$0x7D7]  }
0x2a8: {  	[sflag:s11] =	ssyncset.done $0x0  }
0x2a9: {  	[sflag:s11] =	ssyncadd.s32 $0xFFFF8000  }
0x2aa: {  	[tilespmem:s6], [sflag:$0x9] =	stream.linear.gather [spmem:s16], $0x8000, $0x38;
	[tilespmem:$0x1A740] =	vst v63  }
0x2ab: {  	_ =	swait.ge [sflag:s14], $0x8000  }
0x2ac: {  	s16 =	sld [smem:$0x7FA]  }
0x2ad: {  	[sflag:s14] =	ssyncset.done $0x0  }
0x2ae: {  	[sflag:s14] =	ssyncadd.s32 $0xFFFF8000  }
0x2af: {  	[tilespmem:s6], [sflag:$0x3] =	stream.indirect.gather.add.f32 [hbm:s2], $0x80, s16, s7, $0xb8;
	[tilespmem:$0x1A740] =	vst v63  }
0x2b0: {  	_ =	swait.ge [sflag:s9], $0x8000  }
0x2b1: {  	s16 =	sld [smem:$0x7D8]  }
0x2b2: {  	[sflag:s9] =	ssyncset.done $0x0  }
0x2b3: {  	[sflag:s9] =	ssyncadd.s32 $0xFFFF8000  }
0x2b4: {  	[hbm4b:s16+s1] =	stream.linear.scatter [tilespmem:s3], [sflag:$0x4], $0x8000, $0x38;
	[tilespmem:$0x1A740] =	vst v63  }
0x2b5: {  	_ =	swait.ge [sflag:s8], $0x8000  }
0x2b6: {  	s16 =	sld [smem:$0x7D9]  }
0x2b7: {  	[sflag:s8] =	ssyncset.done $0x0  }
0x2b8: {  	[sflag:s8] =	ssyncadd.s32 $0xFFFF8000  }
0x2b9: {  	[tilespmem:s3], [sflag:$0x7] =	stream.linear.gather [spmem:s16], $0x8000, $0x38;
	[tilespmem:$0x1A740] =	vst v63  }
0x2ba: {  	_ =	swait.ge [sflag:s4], $0x8000  }
0x2bb: {  	s16 =	sld [smem:$0x7FB]  }
0x2bc: {  	[sflag:s4] =	ssyncset.done $0x0  }
0x2bd: {  	[sflag:s4] =	ssyncadd.s32 $0xFFFF8000  }
0x2be: {  	[tilespmem:s3], [sflag:$0x1] =	stream.indirect.gather.add.f32 [hbm:s2], $0x80, s16, s7, $0xb8;
	[tilespmem:$0x1A740] =	vst v63  }
0x2bf: {  	_ =	swait.ge [sflag:s12], $0x8000  }
0x2c0: {  	s16 =	sld [smem:$0x7DA]  }
0x2c1: {  	[sflag:s12] =	ssyncset.done $0x0  }
0x2c2: {  	[sflag:s12] =	ssyncadd.s32 $0xFFFF8000  }
0x2c3: {  	[hbm4b:s16+s1] =	stream.linear.scatter [tilespmem:s5], [sflag:$0x5], $0x8000, $0x38;
	[tilespmem:$0x1A740] =	vst v63  }
0x2c4: {  	_ =	swait.ge [sflag:s10], $0x8000  }
0x2c5: {  	s16 =	sld [smem:$0x7DB]  }
0x2c6: {  	[sflag:s10] =	ssyncset.done $0x0  }
0x2c7: {  	[sflag:s10] =	ssyncadd.s32 $0xFFFF8000  }
0x2c8: {  	[tilespmem:s5], [sflag:$0x8] =	stream.linear.gather [spmem:s16], $0x8000, $0x38;
	[tilespmem:$0x1A740] =	vst v63  }
0x2c9: {  	_ =	swait.ge [sflag:s15], $0x8000  }
0x2ca: {  	s16 =	sld [smem:$0x7FC]  }
0x2cb: {  	[sflag:s15] =	ssyncset.done $0x0  }
0x2cc: {  	[sflag:s15] =	ssyncadd.s32 $0xFFFF8000  }
0x2cd: {  	[tilespmem:s5], [sflag:$0x2] =	stream.indirect.gather.add.f32 [hbm:s2], $0x80, s16, s7, $0xb8;
	[tilespmem:$0x1A740] =	vst v63  }
0x2ce: {  	_ =	swait.ge [sflag:s13], $0x8000  }
0x2cf: {  	s16 =	sld [smem:$0x7DC]  }
0x2d0: {  	[sflag:s13] =	ssyncset.done $0x0  }
0x2d1: {  	[sflag:s13] =	ssyncadd.s32 $0xFFFF8000  }
0x2d2: {  	[hbm4b:s16+s1] =	stream.linear.scatter [tilespmem:s6], [sflag:$0x6], $0x8000, $0x38;
	[tilespmem:$0x1A740] =	vst v63  }
0x2d3: {  	_ =	swait.ge [sflag:s11], $0x8000  }
0x2d4: {  	s16 =	sld [smem:$0x7DD]  }
0x2d5: {  	[sflag:s11] =	ssyncset.done $0x0  }
0x2d6: {  	[sflag:s11] =	ssyncadd.s32 $0xFFFF8000  }
0x2d7: {  	[tilespmem:s6], [sflag:$0x9] =	stream.linear.gather [spmem:s16], $0x8000, $0x38;
	[tilespmem:$0x1A740] =	vst v63  }
0x2d8: {  	_ =	swait.ge [sflag:s14], $0x8000  }
0x2d9: {  	s16 =	sld [smem:$0x7FD]  }
0x2da: {  	[sflag:s14] =	ssyncset.done $0x0  }
0x2db: {  	[sflag:s14] =	ssyncadd.s32 $0xFFFF8000  }
0x2dc: {  	[tilespmem:s6], [sflag:$0x3] =	stream.indirect.gather.add.f32 [hbm:s2], $0x80, s16, s7, $0xb8;
	[tilespmem:$0x1A740] =	vst v63  }
0x2dd: {  	_ =	swait.ge [sflag:s9], $0x8000  }
0x2de: {  	s16 =	sld [smem:$0x7DE]  }
0x2df: {  	[sflag:s9] =	ssyncset.done $0x0  }
0x2e0: {  	[sflag:s9] =	ssyncadd.s32 $0xFFFF8000  }
0x2e1: {  	[hbm4b:s16+s1] =	stream.linear.scatter [tilespmem:s3], [sflag:$0x4], $0x8000, $0x38;
	[tilespmem:$0x1A740] =	vst v63  }
0x2e2: {  	_ =	swait.ge [sflag:s8], $0x8000  }
0x2e3: {  	s16 =	sld [smem:$0x7DF]  }
0x2e4: {  	[sflag:s8] =	ssyncset.done $0x0  }
0x2e5: {  	[sflag:s8] =	ssyncadd.s32 $0xFFFF8000  }
0x2e6: {  	[tilespmem:s3], [sflag:$0x7] =	stream.linear.gather [spmem:s16], $0x8000, $0x38;
	[tilespmem:$0x1A740] =	vst v63  }
0x2e7: {  	_ =	swait.ge [sflag:s4], $0x8000  }
0x2e8: {  	[sflag:s4] =	ssyncset.done $0x0  }
0x2e9: {  	[sflag:s4] =	ssyncadd.s32 $0xFFFF8000  }
0x2ea: {  	[tilespmem:s3], [sflag:$0x1] =	stream.indirect.gather.add.f32 [hbm:s2], $0x80, s25, s7, $0xb8;
	[tilespmem:$0x1A740] =	vst v63  }
0x2eb: {  	_ =	swait.ge [sflag:s12], $0x8000  }
0x2ec: {  	s16 =	sld [smem:$0x7E0]  }
0x2ed: {  	[sflag:s12] =	ssyncset.done $0x0  }
0x2ee: {  	[sflag:s12] =	ssyncadd.s32 $0xFFFF8000  }
0x2ef: {  	[hbm4b:s16+s1] =	stream.linear.scatter [tilespmem:s5], [sflag:$0x5], $0x8000, $0x38;
	[tilespmem:$0x1A740] =	vst v63  }
0x2f0: {  	_ =	swait.ge [sflag:s10], $0x8000  }
0x2f1: {  	s16 =	sld [smem:$0x7E1]  }
0x2f2: {  	[sflag:s10] =	ssyncset.done $0x0  }
0x2f3: {  	[sflag:s10] =	ssyncadd.s32 $0xFFFF8000  }
0x2f4: {  	[tilespmem:s5], [sflag:$0x8] =	stream.linear.gather [spmem:s16], $0x8000, $0x38;
	[tilespmem:$0x1A740] =	vst v63  }
0x2f5: {  	_ =	swait.ge [sflag:s15], $0x8000  }
0x2f6: {  	[sflag:s15] =	ssyncset.done $0x0  }
0x2f7: {  	[sflag:s15] =	ssyncadd.s32 $0xFFFF8000  }
0x2f8: {  	[tilespmem:s5], [sflag:$0x2] =	stream.indirect.gather.add.f32 [hbm:s2], $0x80, s20, s7, $0xb8;
	[tilespmem:$0x1A740] =	vst v63  }
0x2f9: {  	_ =	swait.ge [sflag:s13], $0x8000  }
0x2fa: {  	s16 =	sld [smem:$0x7E2]  }
0x2fb: {  	[sflag:s13] =	ssyncset.done $0x0  }
0x2fc: {  	[sflag:s13] =	ssyncadd.s32 $0xFFFF8000  }
0x2fd: {  	[hbm4b:s16+s1] =	stream.linear.scatter [tilespmem:s6], [sflag:$0x6], $0x8000, $0x38;
	[tilespmem:$0x1A740] =	vst v63  }
0x2fe: {  	_ =	swait.ge [sflag:s11], $0x8000  }
0x2ff: {  	s16 =	sld [smem:$0x7E3]  }
0x300: {  	[sflag:s11] =	ssyncset.done $0x0  }
0x301: {  	[sflag:s11] =	ssyncadd.s32 $0xFFFF8000  }
0x302: {  	[tilespmem:s6], [sflag:$0x9] =	stream.linear.gather [spmem:s16], $0x8000, $0x38;
	[tilespmem:$0x1A740] =	vst v63  }
0x303: {  	_ =	swait.ge [sflag:s14], $0x8000  }
0x304: {  	[sflag:s14] =	ssyncset.done $0x0  }
0x305: {  	[sflag:s14] =	ssyncadd.s32 $0xFFFF8000  }
0x306: {  	[tilespmem:s6], [sflag:$0x3] =	stream.indirect.gather.add.f32 [hbm:s2], $0x80, s19, s7, $0xb8;
	[tilespmem:$0x1A740] =	vst v63  }
0x307: {  	_ =	swait.ge [sflag:s9], $0x8000  }
0x308: {  	s16 =	sld [smem:$0x7E4]  }
0x309: {  	[sflag:s9] =	ssyncset.done $0x0  }
0x30a: {  	[sflag:s9] =	ssyncadd.s32 $0xFFFF8000  }
0x30b: {  	[hbm4b:s16+s1] =	stream.linear.scatter [tilespmem:s3], [sflag:$0x4], $0x8000, $0x38;
	[tilespmem:$0x1A740] =	vst v63  }
0x30c: {  	_ =	swait.ge [sflag:s8], $0x8000  }
0x30d: {  	s16 =	sld [smem:$0x7E5]  }
0x30e: {  	[sflag:s8] =	ssyncset.done $0x0  }
0x30f: {  	[sflag:s8] =	ssyncadd.s32 $0xFFFF8000  }
0x310: {  	[tilespmem:s3], [sflag:$0x7] =	stream.linear.gather [spmem:s16], $0x8000, $0x38;
	[tilespmem:$0x1A740] =	vst v63  }
0x311: {  	_ =	swait.ge [sflag:s4], $0x8000  }
0x312: {  	[sflag:s4] =	ssyncset.done $0x0  }
0x313: {  	[sflag:s4] =	ssyncadd.s32 $0xFFFF8000  }
0x314: {  	[tilespmem:s3], [sflag:$0x1] =	stream.indirect.gather.add.f32 [hbm:s2], $0x80, s18, s7, $0xb8;
	[tilespmem:$0x1A740] =	vst v63  }
0x315: {  	_ =	swait.ge [sflag:s12], $0x8000  }
0x316: {  	s16 =	sld [smem:$0x7E6]  }
0x317: {  	[sflag:s12] =	ssyncset.done $0x0  }
0x318: {  	[sflag:s12] =	ssyncadd.s32 $0xFFFF8000  }
0x319: {  	[hbm4b:s16+s1] =	stream.linear.scatter [tilespmem:s5], [sflag:$0x5], $0x8000, $0x38;
	[tilespmem:$0x1A740] =	vst v63  }
0x31a: {  	_ =	swait.ge [sflag:s13], $0x8000  }
0x31b: {  	s16 =	sld [smem:$0x7E7]  }
0x31c: {  	[sflag:s13] =	ssyncset.done $0x0  }
0x31d: {  	[sflag:s13] =	ssyncadd.s32 $0xFFFF8000  }
0x31e: {  	[hbm4b:s16+s1] =	stream.linear.scatter [tilespmem:s6], [sflag:$0x6], $0x8000, $0x38;
	[tilespmem:$0x1A740] =	vst v63  }
0x31f: {  	_ =	swait.ge [sflag:s9], $0x8000  }
0x320: {  	s16 =	sld [smem:$0x7E8]  }
0x321: {  	[sflag:s9] =	ssyncset.done $0x0  }
0x322: {  	[sflag:s9] =	ssyncadd.s32 $0xFFFF8000  }
0x323: {  	[hbm4b:s16+s1] =	stream.linear.scatter [tilespmem:s3], [sflag:$0x4], $0x8000, $0x38;
	[tilespmem:$0x1A740] =	vst v63  }
0x324: {  	_ =	swait.ge [sflag:s8], $0x8000  }
0x325: {  	s0 =	sadd.s32 $0xFFFFFFFF, s0;
	[sflag:s8] =	ssyncset.done $0x0  }
0x326: {  	p2 =	sne.s32 s0, $0x0;
	[sflag:s8] =	ssyncadd.s32 $0xFFFF8000  }
.Ltmp2:
0x327: {  	_ =	swait.ge [sflag:s10], $0x8000;
	(pc) =	sbr.rel @p2 .LBB2_3-.Ltmp2, $4  }
0x328: {  	[sflag:s10] =	ssyncset.done $0x0  }
0x329: {  	[sflag:s10] =	ssyncadd.s32 $0xFFFF8000  }
0x32a: {  	_ =	swait.ge [sflag:s11], $0x8000  }
0x32b: {  	[sflag:s11] =	ssyncset.done $0x0  }
0x32c: {  	s25 =	rddreg [dreg:$0x5];
	s26 =	simm.s32 $0x1800  }
0x32d: {  	s18 =	simm.s32 $0x1700;
	s19 =	simm.s32 $0x1600;
	s20 =	simm.s32 $0x1500  }
.LBB2_5:
0x32e: {  	s0 =	simm.s32 @p0 $0x0;
	[sflag:s11] =	ssyncadd.s32 @p1 $0xFFFF8000  }
0x32f: {  	[tilespmem:s0], [sflag:$0xA] =	stream.linear.gather @p0 [hbm4b:s23+s0], $0x1900, $0x38;
	[tilespmem:$0x1A740] =	vst v63  }
0x330: {  	s0 =	simm.s32 @p0 $0xA  }
0x331: {  	_ =	swait.ge @p0 [sflag:s0], $0x1900  }
0x332: {  	[sflag:s0] =	ssyncset.done @p0 $0x0  }
0x333: {  	[sflag:s0] =	ssyncadd.s32 @p0 $0xFFFFE700;
	s0 =	simm.s32 @!p0 $0x1C07  }
0x334: {  	[spmem:s24], [sflag:s0] =	dma.local @!p0 [hbm:s22], $0xC80  }
0x335: {  	s16 =	sld [smem:$0x7E9];
	_ =	sdelay $0x2  }
0x336: {  	[spmem:s16], [sflag:s0] =	dma.local @!p0 [hbm:s22], $0xC80  }
0x337: {  	s16 =	sld [smem:$0x7EA];
	_ =	sdelay $0x2  }
0x338: {  	[spmem:s16], [sflag:s0] =	dma.local @!p0 [hbm:s22], $0x380  }
0x339: {  	s0 =	simm.s32 @!p0 $0x0  }
0x33a: {  	[tilespmem:s0], [sflag:$0xA] =	stream.linear.gather @!p0 [hbm4b:s23+s0], $0x1900, $0x38;
	[tilespmem:$0x1A740] =	vst v63  }
0x33b: {  	s0 =	simm.s32 @!p0 $0xA  }
0x33c: {  	_ =	swait.ge @!p0 [sflag:s0], $0x1900  }
0x33d: {  	[sflag:s0] =	ssyncset.done @!p0 $0x0  }
0x33e: {  	[sflag:s0] =	ssyncadd.s32 @!p0 $0xFFFFE700;
	s0 =	simm.s32 @!p0 $0x7  }
0x33f: {  	_ =	swait.ge @!p0 [sflag:s0], $0xC80  }
0x340: {  	[sflag:s0] =	ssyncset.done @!p0 $0x0  }
0x341: {  	[sflag:s0] =	ssyncadd.s32 @!p0 $0xFFFFF380  }
0x342: {  	_ =	swait.ge @!p0 [sflag:s0], $0xC80  }
0x343: {  	[sflag:s0] =	ssyncset.done @!p0 $0x0  }
0x344: {  	[sflag:s0] =	ssyncadd.s32 @!p0 $0xFFFFF380  }
0x345: {  	_ =	swait.ge @!p0 [sflag:s0], $0x380  }
0x346: {  	[sflag:s0] =	ssyncset.done @!p0 $0x0  }
0x347: {  	[sflag:s0] =	ssyncadd.s32 @!p0 $0xFFFFFC80  }
0x348: {  	[bflag:$0x0] =	sbarrier.arrive $0xFFFF  }
0x349: {  	[tilespmem:s3], [sflag:$0x7] =	stream.linear.gather [spmem:s17], $0x8000, $0x38;
	[tilespmem:$0x1A740] =	vst v63  }
0x34a: {  	_ =	swait.ge [sflag:s4], $0x8000  }
0x34b: {  	[sflag:s4] =	ssyncset.done $0x0  }
0x34c: {  	[sflag:s4] =	ssyncadd.s32 $0xFFFF8000  }
0x34d: {  	[tilespmem:s3], [sflag:$0x1] =	stream.indirect.gather.add.f32 [hbm:s2], $0x80, s1, s7, $0xb8;
	[tilespmem:$0x1A740] =	vst v63  }
0x34e: {  	s23 =	rddreg [dreg:$0x6]  }
0x34f: {  	[tilespmem:s5], [sflag:$0x8] =	stream.linear.gather [spmem:s23], $0x8000, $0x38;
	[tilespmem:$0x1A740] =	vst v63  }
0x350: {  	_ =	swait.ge [sflag:s15], $0x8000  }
0x351: {  	[sflag:s15] =	ssyncset.done $0x0  }
0x352: {  	[sflag:s15] =	ssyncadd.s32 $0xFFFF8000  }
0x353: {  	[tilespmem:s5], [sflag:$0x2] =	stream.indirect.gather.add.f32 [hbm:s2], $0x80, s7, s7, $0xb8;
	[tilespmem:$0x1A740] =	vst v63  }
0x354: {  	s24 =	rddreg [dreg:$0x7]  }
0x355: {  	[tilespmem:s6], [sflag:$0x9] =	stream.linear.gather [spmem:s24], $0x8000, $0x38;
	[tilespmem:$0x1A740] =	vst v63  }
0x356: {  	_ =	swait.ge [sflag:s14], $0x8000  }
0x357: {  	s28 =	sld [smem:$0x7EB]  }
0x358: {  	[sflag:s14] =	ssyncset.done $0x0  }
0x359: {  	[sflag:s14] =	ssyncadd.s32 $0xFFFF8000  }
0x35a: {  	[tilespmem:s6], [sflag:$0x3] =	stream.indirect.gather.add.f32 [hbm:s2], $0x80, s28, s7, $0xb8;
	[tilespmem:$0x1A740] =	vst v63  }
0x35b: {  	_ =	swait.ge [sflag:s9], $0x8000  }
0x35c: {  	[sflag:s9] =	ssyncset.done $0x0  }
0x35d: {  	[sflag:s9] =	ssyncadd.s32 $0xFFFF8000  }
0x35e: {  	[hbm4b:s21+s1] =	stream.linear.scatter [tilespmem:s3], [sflag:$0x4], $0x8000, $0x38;
	[tilespmem:$0x1A740] =	vst v63  }
0x35f: {  	_ =	swait.ge [sflag:s8], $0x8000  }
0x360: {  	[sflag:s8] =	ssyncset.done $0x0  }
0x361: {  	s29 =	rddreg [dreg:$0x8];
	[sflag:s8] =	ssyncadd.s32 $0xFFFF8000  }
0x362: {  	[tilespmem:s3], [sflag:$0x7] =	stream.linear.gather [spmem:s29], $0x8000, $0x38;
	[tilespmem:$0x1A740] =	vst v63  }
0x363: {  	_ =	swait.ge [sflag:s4], $0x8000  }
0x364: {  	s30 =	sld [smem:$0x7EC]  }
0x365: {  	[sflag:s4] =	ssyncset.done $0x0  }
0x366: {  	[sflag:s4] =	ssyncadd.s32 $0xFFFF8000  }
0x367: {  	[tilespmem:s3], [sflag:$0x1] =	stream.indirect.gather.add.f32 [hbm:s2], $0x80, s30, s7, $0xb8;
	[tilespmem:$0x1A740] =	vst v63  }
0x368: {  	_ =	swait.ge [sflag:s12], $0x8000  }
0x369: {  	[sflag:s12] =	ssyncset.done $0x0  }
0x36a: {  	s31 =	rddreg [dreg:$0x9];
	[sflag:s12] =	ssyncadd.s32 $0xFFFF8000  }
0x36b: {  	[hbm4b:s31+s1] =	stream.linear.scatter [tilespmem:s5], [sflag:$0x5], $0x8000, $0x38;
	[tilespmem:$0x1A740] =	vst v63  }
0x36c: {  	_ =	swait.ge [sflag:s10], $0x8000  }
0x36d: {  	[sflag:s10] =	ssyncset.done $0x0  }
0x36e: {  	s16 =	rddreg [dreg:$0xa];
	[sflag:s10] =	ssyncadd.s32 $0xFFFF8000  }
0x36f: {  	[tilespmem:s5], [sflag:$0x8] =	stream.linear.gather [spmem:s16], $0x8000, $0x38;
	[tilespmem:$0x1A740] =	vst v63  }
0x370: {  	_ =	swait.ge [sflag:s15], $0x8000  }
0x371: {  	s17 =	sld [smem:$0x7ED]  }
0x372: {  	[sflag:s15] =	ssyncset.done $0x0  }
0x373: {  	[sflag:s15] =	ssyncadd.s32 $0xFFFF8000  }
0x374: {  	[tilespmem:s5], [sflag:$0x2] =	stream.indirect.gather.add.f32 [hbm:s2], $0x80, s17, s7, $0xb8;
	[tilespmem:$0x1A740] =	vst v63  }
0x375: {  	_ =	swait.ge [sflag:s13], $0x8000  }
0x376: {  	[sflag:s13] =	ssyncset.done $0x0  }
0x377: {  	s21 =	rddreg [dreg:$0xb];
	[sflag:s13] =	ssyncadd.s32 $0xFFFF8000  }
0x378: {  	[hbm4b:s21+s1] =	stream.linear.scatter [tilespmem:s6], [sflag:$0x6], $0x8000, $0x38;
	[tilespmem:$0x1A740] =	vst v63  }
0x379: {  	_ =	swait.ge [sflag:s11], $0x8000  }
0x37a: {  	[sflag:s11] =	ssyncset.done $0x0  }
0x37b: {  	s22 =	rddreg [dreg:$0xc];
	[sflag:s11] =	ssyncadd.s32 $0xFFFF8000  }
0x37c: {  	[tilespmem:s6], [sflag:$0x9] =	stream.linear.gather [spmem:s22], $0x8000, $0x38;
	[tilespmem:$0x1A740] =	vst v63  }
0x37d: {  	_ =	swait.ge [sflag:s14], $0x8000  }
0x37e: {  	s23 =	sld [smem:$0x7EE]  }
0x37f: {  	[sflag:s14] =	ssyncset.done $0x0  }
0x380: {  	[sflag:s14] =	ssyncadd.s32 $0xFFFF8000  }
0x381: {  	[tilespmem:s6], [sflag:$0x3] =	stream.indirect.gather.add.f32 [hbm:s2], $0x80, s23, s7, $0xb8;
	[tilespmem:$0x1A740] =	vst v63  }
0x382: {  	_ =	swait.ge [sflag:s9], $0x8000  }
0x383: {  	[sflag:s9] =	ssyncset.done $0x0  }
0x384: {  	s24 =	rddreg [dreg:$0xd];
	[sflag:s9] =	ssyncadd.s32 $0xFFFF8000  }
0x385: {  	[hbm4b:s24+s1] =	stream.linear.scatter [tilespmem:s3], [sflag:$0x4], $0x8000, $0x38;
	[tilespmem:$0x1A740] =	vst v63  }
0x386: {  	_ =	swait.ge [sflag:s8], $0x8000  }
0x387: {  	[sflag:s8] =	ssyncset.done $0x0  }
0x388: {  	s28 =	rddreg [dreg:$0xe];
	[sflag:s8] =	ssyncadd.s32 $0xFFFF8000  }
0x389: {  	[tilespmem:s3], [sflag:$0x7] =	stream.linear.gather [spmem:s28], $0x8000, $0x38;
	[tilespmem:$0x1A740] =	vst v63  }
0x38a: {  	_ =	swait.ge [sflag:s4], $0x8000  }
0x38b: {  	s29 =	sld [smem:$0x7EF]  }
0x38c: {  	[sflag:s4] =	ssyncset.done $0x0  }
0x38d: {  	[sflag:s4] =	ssyncadd.s32 $0xFFFF8000  }
0x38e: {  	[tilespmem:s3], [sflag:$0x1] =	stream.indirect.gather.add.f32 [hbm:s2], $0x80, s29, s7, $0xb8;
	[tilespmem:$0x1A740] =	vst v63  }
0x38f: {  	_ =	swait.ge [sflag:s12], $0x8000  }
0x390: {  	[sflag:s12] =	ssyncset.done $0x0  }
0x391: {  	s30 =	rddreg [dreg:$0xf];
	[sflag:s12] =	ssyncadd.s32 $0xFFFF8000  }
0x392: {  	[hbm4b:s30+s1] =	stream.linear.scatter [tilespmem:s5], [sflag:$0x5], $0x8000, $0x38;
	[tilespmem:$0x1A740] =	vst v63  }
0x393: {  	_ =	swait.ge [sflag:s10], $0x8000  }
0x394: {  	[sflag:s10] =	ssyncset.done $0x0  }
0x395: {  	s31 =	rddreg [dreg:$0x10];
	[sflag:s10] =	ssyncadd.s32 $0xFFFF8000  }
0x396: {  	[tilespmem:s5], [sflag:$0x8] =	stream.linear.gather [spmem:s31], $0x8000, $0x38;
	[tilespmem:$0x1A740] =	vst v63  }
0x397: {  	_ =	swait.ge [sflag:s15], $0x8000  }
0x398: {  	s16 =	sld [smem:$0x7F0]  }
0x399: {  	[sflag:s15] =	ssyncset.done $0x0  }
0x39a: {  	[sflag:s15] =	ssyncadd.s32 $0xFFFF8000  }
0x39b: {  	[tilespmem:s5], [sflag:$0x2] =	stream.indirect.gather.add.f32 [hbm:s2], $0x80, s16, s7, $0xb8;
	[tilespmem:$0x1A740] =	vst v63  }
0x39c: {  	_ =	swait.ge [sflag:s13], $0x8000  }
0x39d: {  	[sflag:s13] =	ssyncset.done $0x0  }
0x39e: {  	s17 =	rddreg [dreg:$0x11];
	[sflag:s13] =	ssyncadd.s32 $0xFFFF8000  }
0x39f: {  	[hbm4b:s17+s1] =	stream.linear.scatter [tilespmem:s6], [sflag:$0x6], $0x8000, $0x38;
	[tilespmem:$0x1A740] =	vst v63  }
0x3a0: {  	_ =	swait.ge [sflag:s11], $0x8000  }
0x3a1: {  	[sflag:s11] =	ssyncset.done $0x0  }
0x3a2: {  	s21 =	rddreg [dreg:$0x12];
	[sflag:s11] =	ssyncadd.s32 $0xFFFF8000  }
0x3a3: {  	[tilespmem:s6], [sflag:$0x9] =	stream.linear.gather [spmem:s21], $0x8000, $0x38;
	[tilespmem:$0x1A740] =	vst v63  }
0x3a4: {  	_ =	swait.ge [sflag:s14], $0x8000  }
0x3a5: {  	s22 =	sld [smem:$0x7F1]  }
0x3a6: {  	[sflag:s14] =	ssyncset.done $0x0  }
0x3a7: {  	[sflag:s14] =	ssyncadd.s32 $0xFFFF8000  }
0x3a8: {  	[tilespmem:s6], [sflag:$0x3] =	stream.indirect.gather.add.f32 [hbm:s2], $0x80, s22, s7, $0xb8;
	[tilespmem:$0x1A740] =	vst v63  }
0x3a9: {  	_ =	swait.ge [sflag:s9], $0x8000  }
0x3aa: {  	[sflag:s9] =	ssyncset.done $0x0  }
0x3ab: {  	s23 =	rddreg [dreg:$0x13];
	[sflag:s9] =	ssyncadd.s32 $0xFFFF8000  }
0x3ac: {  	[hbm4b:s23+s1] =	stream.linear.scatter [tilespmem:s3], [sflag:$0x4], $0x8000, $0x38;
	[tilespmem:$0x1A740] =	vst v63  }
0x3ad: {  	_ =	swait.ge [sflag:s8], $0x8000  }
0x3ae: {  	[sflag:s8] =	ssyncset.done $0x0  }
0x3af: {  	s24 =	rddreg [dreg:$0x14];
	[sflag:s8] =	ssyncadd.s32 $0xFFFF8000  }
0x3b0: {  	[tilespmem:s3], [sflag:$0x7] =	stream.linear.gather [spmem:s24], $0x8000, $0x38;
	[tilespmem:$0x1A740] =	vst v63  }
0x3b1: {  	_ =	swait.ge [sflag:s4], $0x8000  }
0x3b2: {  	s28 =	sld [smem:$0x7F2]  }
0x3b3: {  	[sflag:s4] =	ssyncset.done $0x0  }
0x3b4: {  	[sflag:s4] =	ssyncadd.s32 $0xFFFF8000  }
0x3b5: {  	[tilespmem:s3], [sflag:$0x1] =	stream.indirect.gather.add.f32 [hbm:s2], $0x80, s28, s7, $0xb8;
	[tilespmem:$0x1A740] =	vst v63  }
0x3b6: {  	_ =	swait.ge [sflag:s12], $0x8000  }
0x3b7: {  	[sflag:s12] =	ssyncset.done $0x0  }
0x3b8: {  	s29 =	rddreg [dreg:$0x15];
	[sflag:s12] =	ssyncadd.s32 $0xFFFF8000  }
0x3b9: {  	[hbm4b:s29+s1] =	stream.linear.scatter [tilespmem:s5], [sflag:$0x5], $0x8000, $0x38;
	[tilespmem:$0x1A740] =	vst v63  }
0x3ba: {  	_ =	swait.ge [sflag:s10], $0x8000  }
0x3bb: {  	[sflag:s10] =	ssyncset.done $0x0  }
0x3bc: {  	s30 =	rddreg [dreg:$0x16];
	[sflag:s10] =	ssyncadd.s32 $0xFFFF8000  }
0x3bd: {  	[tilespmem:s5], [sflag:$0x8] =	stream.linear.gather [spmem:s30], $0x8000, $0x38;
	[tilespmem:$0x1A740] =	vst v63  }
0x3be: {  	_ =	swait.ge [sflag:s15], $0x8000  }
0x3bf: {  	s31 =	sld [smem:$0x7F3]  }
0x3c0: {  	[sflag:s15] =	ssyncset.done $0x0  }
0x3c1: {  	[sflag:s15] =	ssyncadd.s32 $0xFFFF8000  }
0x3c2: {  	[tilespmem:s5], [sflag:$0x2] =	stream.indirect.gather.add.f32 [hbm:s2], $0x80, s31, s7, $0xb8;
	[tilespmem:$0x1A740] =	vst v63  }
0x3c3: {  	_ =	swait.ge [sflag:s13], $0x8000  }
0x3c4: {  	[sflag:s13] =	ssyncset.done $0x0  }
0x3c5: {  	s16 =	rddreg [dreg:$0x17];
	[sflag:s13] =	ssyncadd.s32 $0xFFFF8000  }
0x3c6: {  	[hbm4b:s16+s1] =	stream.linear.scatter [tilespmem:s6], [sflag:$0x6], $0x8000, $0x38;
	[tilespmem:$0x1A740] =	vst v63  }
0x3c7: {  	_ =	swait.ge [sflag:s11], $0x8000  }
0x3c8: {  	[sflag:s11] =	ssyncset.done $0x0  }
0x3c9: {  	s17 =	rddreg [dreg:$0x18];
	[sflag:s11] =	ssyncadd.s32 $0xFFFF8000  }
0x3ca: {  	[tilespmem:s6], [sflag:$0x9] =	stream.linear.gather [spmem:s17], $0x8000, $0x38;
	[tilespmem:$0x1A740] =	vst v63  }
0x3cb: {  	_ =	swait.ge [sflag:s14], $0x8000  }
0x3cc: {  	s21 =	sld [smem:$0x7F4]  }
0x3cd: {  	[sflag:s14] =	ssyncset.done $0x0  }
0x3ce: {  	[sflag:s14] =	ssyncadd.s32 $0xFFFF8000  }
0x3cf: {  	[tilespmem:s6], [sflag:$0x3] =	stream.indirect.gather.add.f32 [hbm:s2], $0x80, s21, s7, $0xb8;
	[tilespmem:$0x1A740] =	vst v63  }
0x3d0: {  	_ =	swait.ge [sflag:s9], $0x8000  }
0x3d1: {  	[sflag:s9] =	ssyncset.done $0x0  }
0x3d2: {  	s22 =	rddreg [dreg:$0x19];
	[sflag:s9] =	ssyncadd.s32 $0xFFFF8000  }
0x3d3: {  	[hbm4b:s22+s1] =	stream.linear.scatter [tilespmem:s3], [sflag:$0x4], $0x8000, $0x38;
	[tilespmem:$0x1A740] =	vst v63  }
0x3d4: {  	_ =	swait.ge [sflag:s8], $0x8000  }
0x3d5: {  	[sflag:s8] =	ssyncset.done $0x0  }
0x3d6: {  	s23 =	rddreg [dreg:$0x1a];
	[sflag:s8] =	ssyncadd.s32 $0xFFFF8000  }
0x3d7: {  	[tilespmem:s3], [sflag:$0x7] =	stream.linear.gather [spmem:s23], $0x8000, $0x38;
	[tilespmem:$0x1A740] =	vst v63  }
0x3d8: {  	_ =	swait.ge [sflag:s4], $0x8000  }
0x3d9: {  	s24 =	sld [smem:$0x7F5]  }
0x3da: {  	[sflag:s4] =	ssyncset.done $0x0  }
0x3db: {  	[sflag:s4] =	ssyncadd.s32 $0xFFFF8000  }
0x3dc: {  	[tilespmem:s3], [sflag:$0x1] =	stream.indirect.gather.add.f32 [hbm:s2], $0x80, s24, s7, $0xb8;
	[tilespmem:$0x1A740] =	vst v63  }
0x3dd: {  	_ =	swait.ge [sflag:s12], $0x8000  }
0x3de: {  	[sflag:s12] =	ssyncset.done $0x0  }
0x3df: {  	s28 =	rddreg [dreg:$0x1b];
	[sflag:s12] =	ssyncadd.s32 $0xFFFF8000  }
0x3e0: {  	[hbm4b:s28+s1] =	stream.linear.scatter [tilespmem:s5], [sflag:$0x5], $0x8000, $0x38;
	[tilespmem:$0x1A740] =	vst v63  }
0x3e1: {  	_ =	swait.ge [sflag:s10], $0x8000  }
0x3e2: {  	[sflag:s10] =	ssyncset.done $0x0  }
0x3e3: {  	s29 =	rddreg [dreg:$0x1c];
	[sflag:s10] =	ssyncadd.s32 $0xFFFF8000  }
0x3e4: {  	[tilespmem:s5], [sflag:$0x8] =	stream.linear.gather [spmem:s29], $0x8000, $0x38;
	[tilespmem:$0x1A740] =	vst v63  }
0x3e5: {  	_ =	swait.ge [sflag:s15], $0x8000  }
0x3e6: {  	s30 =	sld [smem:$0x7F6]  }
0x3e7: {  	[sflag:s15] =	ssyncset.done $0x0  }
0x3e8: {  	[sflag:s15] =	ssyncadd.s32 $0xFFFF8000  }
0x3e9: {  	[tilespmem:s5], [sflag:$0x2] =	stream.indirect.gather.add.f32 [hbm:s2], $0x80, s30, s7, $0xb8;
	[tilespmem:$0x1A740] =	vst v63  }
0x3ea: {  	_ =	swait.ge [sflag:s13], $0x8000  }
0x3eb: {  	[sflag:s13] =	ssyncset.done $0x0  }
0x3ec: {  	s31 =	rddreg [dreg:$0x1d];
	[sflag:s13] =	ssyncadd.s32 $0xFFFF8000  }
0x3ed: {  	[hbm4b:s31+s1] =	stream.linear.scatter [tilespmem:s6], [sflag:$0x6], $0x8000, $0x38;
	[tilespmem:$0x1A740] =	vst v63  }
0x3ee: {  	_ =	swait.ge [sflag:s11], $0x8000  }
0x3ef: {  	[sflag:s11] =	ssyncset.done $0x0  }
0x3f0: {  	s16 =	rddreg [dreg:$0x1e];
	[sflag:s11] =	ssyncadd.s32 $0xFFFF8000  }
0x3f1: {  	[tilespmem:s6], [sflag:$0x9] =	stream.linear.gather [spmem:s16], $0x8000, $0x38;
	[tilespmem:$0x1A740] =	vst v63  }
0x3f2: {  	_ =	swait.ge [sflag:s14], $0x8000  }
0x3f3: {  	s17 =	sld [smem:$0x7F7]  }
0x3f4: {  	[sflag:s14] =	ssyncset.done $0x0  }
0x3f5: {  	[sflag:s14] =	ssyncadd.s32 $0xFFFF8000  }
0x3f6: {  	[tilespmem:s6], [sflag:$0x3] =	stream.indirect.gather.add.f32 [hbm:s2], $0x80, s17, s7, $0xb8;
	[tilespmem:$0x1A740] =	vst v63  }
0x3f7: {  	_ =	swait.ge [sflag:s9], $0x8000  }
0x3f8: {  	[sflag:s9] =	ssyncset.done $0x0  }
0x3f9: {  	s21 =	rddreg [dreg:$0x1f];
	[sflag:s9] =	ssyncadd.s32 $0xFFFF8000  }
0x3fa: {  	[hbm4b:s21+s1] =	stream.linear.scatter [tilespmem:s3], [sflag:$0x4], $0x8000, $0x38;
	[tilespmem:$0x1A740] =	vst v63  }
0x3fb: {  	_ =	swait.ge [sflag:s8], $0x8000  }
0x3fc: {  	s22 =	sld [smem:$0x7D3]  }
0x3fd: {  	[sflag:s8] =	ssyncset.done $0x0  }
0x3fe: {  	[sflag:s8] =	ssyncadd.s32 $0xFFFF8000  }
0x3ff: {  	[tilespmem:s3], [sflag:$0x7] =	stream.linear.gather [spmem:s22], $0x8000, $0x38;
	[tilespmem:$0x1A740] =	vst v63  }
0x400: {  	_ =	swait.ge [sflag:s4], $0x8000  }
0x401: {  	s23 =	sld [smem:$0x7F8]  }
0x402: {  	[sflag:s4] =	ssyncset.done $0x0  }
0x403: {  	[sflag:s4] =	ssyncadd.s32 $0xFFFF8000  }
0x404: {  	[tilespmem:s3], [sflag:$0x1] =	stream.indirect.gather.add.f32 [hbm:s2], $0x80, s23, s7, $0xb8;
	[tilespmem:$0x1A740] =	vst v63  }
0x405: {  	_ =	swait.ge [sflag:s12], $0x8000  }
0x406: {  	s24 =	sld [smem:$0x7D4]  }
0x407: {  	[sflag:s12] =	ssyncset.done $0x0  }
0x408: {  	[sflag:s12] =	ssyncadd.s32 $0xFFFF8000  }
0x409: {  	[hbm4b:s24+s1] =	stream.linear.scatter [tilespmem:s5], [sflag:$0x5], $0x8000, $0x38;
	[tilespmem:$0x1A740] =	vst v63  }
0x40a: {  	_ =	swait.ge [sflag:s10], $0x8000  }
0x40b: {  	s28 =	sld [smem:$0x7D5]  }
0x40c: {  	[sflag:s10] =	ssyncset.done $0x0  }
0x40d: {  	[sflag:s10] =	ssyncadd.s32 $0xFFFF8000  }
0x40e: {  	[tilespmem:s5], [sflag:$0x8] =	stream.linear.gather [spmem:s28], $0x8000, $0x38;
	[tilespmem:$0x1A740] =	vst v63  }
0x40f: {  	_ =	swait.ge [sflag:s15], $0x8000  }
0x410: {  	s29 =	sld [smem:$0x7F9]  }
0x411: {  	[sflag:s15] =	ssyncset.done $0x0  }
0x412: {  	[sflag:s15] =	ssyncadd.s32 $0xFFFF8000  }
0x413: {  	[tilespmem:s5], [sflag:$0x2] =	stream.indirect.gather.add.f32 [hbm:s2], $0x80, s29, s7, $0xb8;
	[tilespmem:$0x1A740] =	vst v63  }
0x414: {  	_ =	swait.ge [sflag:s13], $0x8000  }
0x415: {  	s30 =	sld [smem:$0x7D6]  }
0x416: {  	[sflag:s13] =	ssyncset.done $0x0  }
0x417: {  	[sflag:s13] =	ssyncadd.s32 $0xFFFF8000  }
0x418: {  	[hbm4b:s30+s1] =	stream.linear.scatter [tilespmem:s6], [sflag:$0x6], $0x8000, $0x38;
	[tilespmem:$0x1A740] =	vst v63  }
0x419: {  	_ =	swait.ge [sflag:s11], $0x8000  }
0x41a: {  	s31 =	sld [smem:$0x7D7]  }
0x41b: {  	[sflag:s11] =	ssyncset.done $0x0  }
0x41c: {  	[sflag:s11] =	ssyncadd.s32 $0xFFFF8000  }
0x41d: {  	[tilespmem:s6], [sflag:$0x9] =	stream.linear.gather [spmem:s31], $0x8000, $0x38;
	[tilespmem:$0x1A740] =	vst v63  }
0x41e: {  	_ =	swait.ge [sflag:s14], $0x8000  }
0x41f: {  	s16 =	sld [smem:$0x7FA]  }
0x420: {  	[sflag:s14] =	ssyncset.done $0x0  }
0x421: {  	[sflag:s14] =	ssyncadd.s32 $0xFFFF8000  }
0x422: {  	[tilespmem:s6], [sflag:$0x3] =	stream.indirect.gather.add.f32 [hbm:s2], $0x80, s16, s7, $0xb8;
	[tilespmem:$0x1A740] =	vst v63  }
0x423: {  	_ =	swait.ge [sflag:s9], $0x8000  }
0x424: {  	s17 =	sld [smem:$0x7D8]  }
0x425: {  	[sflag:s9] =	ssyncset.done $0x0  }
0x426: {  	[sflag:s9] =	ssyncadd.s32 $0xFFFF8000  }
0x427: {  	[hbm4b:s17+s1] =	stream.linear.scatter [tilespmem:s3], [sflag:$0x4], $0x8000, $0x38;
	[tilespmem:$0x1A740] =	vst v63  }
0x428: {  	_ =	swait.ge [sflag:s8], $0x8000  }
0x429: {  	s21 =	sld [smem:$0x7D9]  }
0x42a: {  	[sflag:s8] =	ssyncset.done $0x0  }
0x42b: {  	[sflag:s8] =	ssyncadd.s32 $0xFFFF8000  }
0x42c: {  	[tilespmem:s3], [sflag:$0x7] =	stream.linear.gather [spmem:s21], $0x8000, $0x38;
	[tilespmem:$0x1A740] =	vst v63  }
0x42d: {  	_ =	swait.ge [sflag:s4], $0x8000  }
0x42e: {  	s22 =	sld [smem:$0x7FB]  }
0x42f: {  	[sflag:s4] =	ssyncset.done $0x0  }
0x430: {  	[sflag:s4] =	ssyncadd.s32 $0xFFFF8000  }
0x431: {  	[tilespmem:s3], [sflag:$0x1] =	stream.indirect.gather.add.f32 [hbm:s2], $0x80, s22, s7, $0xb8;
	[tilespmem:$0x1A740] =	vst v63  }
0x432: {  	_ =	swait.ge [sflag:s12], $0x8000  }
0x433: {  	s23 =	sld [smem:$0x7DA]  }
0x434: {  	[sflag:s12] =	ssyncset.done $0x0  }
0x435: {  	[sflag:s12] =	ssyncadd.s32 $0xFFFF8000  }
0x436: {  	[hbm4b:s23+s1] =	stream.linear.scatter [tilespmem:s5], [sflag:$0x5], $0x8000, $0x38;
	[tilespmem:$0x1A740] =	vst v63  }
0x437: {  	_ =	swait.ge [sflag:s10], $0x8000  }
0x438: {  	s24 =	sld [smem:$0x7DB]  }
0x439: {  	[sflag:s10] =	ssyncset.done $0x0  }
0x43a: {  	[sflag:s10] =	ssyncadd.s32 $0xFFFF8000  }
0x43b: {  	[tilespmem:s5], [sflag:$0x8] =	stream.linear.gather [spmem:s24], $0x8000, $0x38;
	[tilespmem:$0x1A740] =	vst v63  }
0x43c: {  	_ =	swait.ge [sflag:s15], $0x8000  }
0x43d: {  	s28 =	sld [smem:$0x7FC]  }
0x43e: {  	[sflag:s15] =	ssyncset.done $0x0  }
0x43f: {  	[sflag:s15] =	ssyncadd.s32 $0xFFFF8000  }
0x440: {  	[tilespmem:s5], [sflag:$0x2] =	stream.indirect.gather.add.f32 [hbm:s2], $0x80, s28, s7, $0xb8;
	[tilespmem:$0x1A740] =	vst v63  }
0x441: {  	_ =	swait.ge [sflag:s13], $0x8000  }
0x442: {  	s29 =	sld [smem:$0x7DC]  }
0x443: {  	[sflag:s13] =	ssyncset.done $0x0  }
0x444: {  	[sflag:s13] =	ssyncadd.s32 $0xFFFF8000  }
0x445: {  	[hbm4b:s29+s1] =	stream.linear.scatter [tilespmem:s6], [sflag:$0x6], $0x8000, $0x38;
	[tilespmem:$0x1A740] =	vst v63  }
0x446: {  	_ =	swait.ge [sflag:s11], $0x8000  }
0x447: {  	s30 =	sld [smem:$0x7DD]  }
0x448: {  	[sflag:s11] =	ssyncset.done $0x0  }
0x449: {  	[sflag:s11] =	ssyncadd.s32 $0xFFFF8000  }
0x44a: {  	[tilespmem:s6], [sflag:$0x9] =	stream.linear.gather [spmem:s30], $0x8000, $0x38;
	[tilespmem:$0x1A740] =	vst v63  }
0x44b: {  	_ =	swait.ge [sflag:s14], $0x8000  }
0x44c: {  	s31 =	sld [smem:$0x7FD]  }
0x44d: {  	[sflag:s14] =	ssyncset.done $0x0  }
0x44e: {  	[sflag:s14] =	ssyncadd.s32 $0xFFFF8000  }
0x44f: {  	[tilespmem:s6], [sflag:$0x3] =	stream.indirect.gather.add.f32 [hbm:s2], $0x80, s31, s7, $0xb8;
	[tilespmem:$0x1A740] =	vst v63  }
0x450: {  	_ =	swait.ge [sflag:s9], $0x8000  }
0x451: {  	s16 =	sld [smem:$0x7DE]  }
0x452: {  	[sflag:s9] =	ssyncset.done $0x0  }
0x453: {  	[sflag:s9] =	ssyncadd.s32 $0xFFFF8000  }
0x454: {  	[hbm4b:s16+s1] =	stream.linear.scatter [tilespmem:s3], [sflag:$0x4], $0x8000, $0x38;
	[tilespmem:$0x1A740] =	vst v63  }
0x455: {  	_ =	swait.ge [sflag:s8], $0x8000  }
0x456: {  	s17 =	sld [smem:$0x7DF]  }
0x457: {  	[sflag:s8] =	ssyncset.done $0x0  }
0x458: {  	[sflag:s8] =	ssyncadd.s32 $0xFFFF8000  }
0x459: {  	[tilespmem:s3], [sflag:$0x7] =	stream.linear.gather [spmem:s17], $0x8000, $0x38;
	[tilespmem:$0x1A740] =	vst v63  }
0x45a: {  	_ =	swait.ge [sflag:s4], $0x8000  }
0x45b: {  	[sflag:s4] =	ssyncset.done $0x0  }
0x45c: {  	[sflag:s4] =	ssyncadd.s32 $0xFFFF8000  }
0x45d: {  	[tilespmem:s3], [sflag:$0x1] =	stream.indirect.gather.add.f32 [hbm:s2], $0x80, s20, s7, $0xb8;
	[tilespmem:$0x1A740] =	vst v63  }
0x45e: {  	_ =	swait.ge [sflag:s12], $0x8000  }
0x45f: {  	s20 =	sld [smem:$0x7E0]  }
0x460: {  	[sflag:s12] =	ssyncset.done $0x0  }
0x461: {  	[sflag:s12] =	ssyncadd.s32 $0xFFFF8000  }
0x462: {  	[hbm4b:s20+s1] =	stream.linear.scatter [tilespmem:s5], [sflag:$0x5], $0x8000, $0x38;
	[tilespmem:$0x1A740] =	vst v63  }
0x463: {  	_ =	swait.ge [sflag:s10], $0x8000  }
0x464: {  	s21 =	sld [smem:$0x7E1]  }
0x465: {  	[sflag:s10] =	ssyncset.done $0x0  }
0x466: {  	[sflag:s10] =	ssyncadd.s32 $0xFFFF8000  }
0x467: {  	[tilespmem:s5], [sflag:$0x8] =	stream.linear.gather [spmem:s21], $0x8000, $0x38;
	[tilespmem:$0x1A740] =	vst v63  }
0x468: {  	_ =	swait.ge [sflag:s15], $0x8000  }
0x469: {  	[sflag:s15] =	ssyncset.done $0x0  }
0x46a: {  	[sflag:s15] =	ssyncadd.s32 $0xFFFF8000  }
0x46b: {  	[tilespmem:s5], [sflag:$0x2] =	stream.indirect.gather.add.f32 [hbm:s2], $0x80, s19, s7, $0xb8;
	[tilespmem:$0x1A740] =	vst v63  }
0x46c: {  	_ =	swait.ge [sflag:s13], $0x8000  }
0x46d: {  	s22 =	sld [smem:$0x7E2]  }
0x46e: {  	[sflag:s13] =	ssyncset.done $0x0  }
0x46f: {  	[sflag:s13] =	ssyncadd.s32 $0xFFFF8000  }
0x470: {  	[hbm4b:s22+s1] =	stream.linear.scatter [tilespmem:s6], [sflag:$0x6], $0x8000, $0x38;
	[tilespmem:$0x1A740] =	vst v63  }
0x471: {  	_ =	swait.ge [sflag:s11], $0x8000  }
0x472: {  	s23 =	sld [smem:$0x7E3]  }
0x473: {  	[sflag:s11] =	ssyncset.done $0x0  }
0x474: {  	[sflag:s11] =	ssyncadd.s32 $0xFFFF8000  }
0x475: {  	[tilespmem:s6], [sflag:$0x9] =	stream.linear.gather [spmem:s23], $0x8000, $0x38;
	[tilespmem:$0x1A740] =	vst v63  }
0x476: {  	_ =	swait.ge [sflag:s14], $0x8000  }
0x477: {  	[sflag:s14] =	ssyncset.done $0x0  }
0x478: {  	[sflag:s14] =	ssyncadd.s32 $0xFFFF8000  }
0x479: {  	[tilespmem:s6], [sflag:$0x3] =	stream.indirect.gather.add.f32 [hbm:s2], $0x80, s18, s7, $0xb8;
	[tilespmem:$0x1A740] =	vst v63  }
0x47a: {  	_ =	swait.ge [sflag:s9], $0x8000  }
0x47b: {  	s24 =	sld [smem:$0x7E4]  }
0x47c: {  	[sflag:s9] =	ssyncset.done $0x0  }
0x47d: {  	[sflag:s9] =	ssyncadd.s32 $0xFFFF8000  }
0x47e: {  	[hbm4b:s24+s1] =	stream.linear.scatter [tilespmem:s3], [sflag:$0x4], $0x8000, $0x38;
	[tilespmem:$0x1A740] =	vst v63  }
0x47f: {  	_ =	swait.ge [sflag:s8], $0x8000  }
0x480: {  	s28 =	sld [smem:$0x7E5]  }
0x481: {  	[sflag:s8] =	ssyncset.done $0x0  }
0x482: {  	[sflag:s8] =	ssyncadd.s32 $0xFFFF8000  }
0x483: {  	[tilespmem:s3], [sflag:$0x7] =	stream.linear.gather [spmem:s28], $0x8000, $0x38;
	[tilespmem:$0x1A740] =	vst v63  }
0x484: {  	_ =	swait.ge [sflag:s4], $0x8000  }
0x485: {  	[sflag:s4] =	ssyncset.done $0x0  }
0x486: {  	[sflag:s4] =	ssyncadd.s32 $0xFFFF8000  }
0x487: {  	[tilespmem:s3], [sflag:$0x1] =	stream.indirect.gather.add.f32 [hbm:s2], $0x80, s26, s7, $0xb8;
	[tilespmem:$0x1A740] =	vst v63  }
0x488: {  	_ =	swait.ge [sflag:s12], $0x8000  }
0x489: {  	s29 =	sld [smem:$0x7E6]  }
0x48a: {  	[sflag:s12] =	ssyncset.done $0x0  }
0x48b: {  	[sflag:s12] =	ssyncadd.s32 $0xFFFF8000  }
0x48c: {  	[hbm4b:s29+s1] =	stream.linear.scatter [tilespmem:s5], [sflag:$0x5], $0x8000, $0x38;
	[tilespmem:$0x1A740] =	vst v63  }
0x48d: {  	_ =	swait.ge [sflag:s13], $0x8000  }
0x48e: {  	s30 =	sld [smem:$0x7E7]  }
0x48f: {  	[sflag:s13] =	ssyncset.done $0x0  }
0x490: {  	[sflag:s13] =	ssyncadd.s32 $0xFFFF8000  }
0x491: {  	[hbm4b:s30+s1] =	stream.linear.scatter [tilespmem:s6], [sflag:$0x6], $0x8000, $0x38;
	[tilespmem:$0x1A740] =	vst v63  }
0x492: {  	_ =	swait.ge [sflag:s9], $0x8000  }
0x493: {  	s31 =	sld [smem:$0x7E8]  }
0x494: {  	[sflag:s9] =	ssyncset.done $0x0  }
0x495: {  	[sflag:s9] =	ssyncadd.s32 $0xFFFF8000  }
0x496: {  	[hbm4b:s31+s1] =	stream.linear.scatter [tilespmem:s3], [sflag:$0x4], $0x8000, $0x38;
	[tilespmem:$0x1A740] =	vst v63  }
0x497: {  	_ =	swait.ge [sflag:s8], $0x8000  }
0x498: {  	[sflag:s8] =	ssyncset.done $0x0  }
0x499: {  	[sflag:s8] =	ssyncadd.s32 $0xFFFF8000  }
0x49a: {  	_ =	swait.ge [sflag:s10], $0x8000  }
0x49b: {  	[sflag:s10] =	ssyncset.done $0x0  }
0x49c: {  	[sflag:s10] =	ssyncadd.s32 $0xFFFF8000  }
0x49d: {  	_ =	swait.ge [sflag:s11], $0x8000  }
0x49e: {  	[sflag:s11] =	ssyncset.done $0x0  }
0x49f: {  	[sflag:s11] =	ssyncadd.s32 $0xFFFF8000  }
0x4a0: {  	_ =	sfence.sel $0x180000  }
0x4a1: {  	[bflag:$0x0] =	sbarrier.arrive $0xFFFF  }
0x4a2: {  	_ =	strace $0x90000047  }
0x4a3: {  	s0 =	sadd.s32 @!p0 $0x100000, s25;
	[bflag:$0x2] =	sbarrier.arrive $0xFFFF  }
0x4a4: {  	[sflag:s0] =	ssyncadd.tile.s32 @!p0 $0x1;
	_ =	shalt  }
.LBB2_2:
.Ltmp3:
0x4a5: {  	(pc) =	sbr.rel .LBB2_5-.Ltmp3, $3  }
0x4a6: {  	_ =	sdelay $0x1  }
0x4a7: {  	s25 =	rddreg [dreg:$0x5];
	s26 =	simm.s32 $0x1800  }
0x4a8: {  	s18 =	simm.s32 $0x1700;
	s19 =	simm.s32 $0x1600;
	s20 =	simm.s32 $0x1500  }
.Lfunc_end2:
_tile_overlayer_lowered:
.L_overlay_start_2:
0x4a9: {  	(tag) =	ssettag $0x2  }
0x4aa: {  	s0 =	rddreg [dreg:$0x0];
	s2 =	stileid.u32  }
0x4ab: {  	s1 =	rddreg [dreg:$0x1];
	p0 =	sne.s32 s2, $0x0  }
0x4ac: {  	s3 =	rddreg [dreg:$0x2];
	[bflag:$0x3] =	sbarrier.arrive $0xFFFF;
	s2 =	simm.s32 @!p0 $0x1C0A  }
0x4ad: {  	[timem:s3], [sflag:s2] =	dma.local @!p0 [hbm:s0], s1  }
0x4ae: {  	s0 =	simm.s32 @!p0 $0xA  }
0x4af: {  	_ =	swait.ge @!p0 [sflag:s0], s1  }
0x4b0: {  	s1 =	ssub.s32 @!p0 $0x0, s1;
	[sflag:s0] =	ssyncset.done @!p0 $0x0  }
0x4b1: {  	[sflag:s0] =	ssyncadd.s32 @!p0 s1  }
0x4b2: {  	[bflag:$0x3] =	sbarrier.arrive $0xFFFF  }
0x4b3: {  	_ =	shalt  }

</sc_bundles>
